<compile_context>
chip_gen: v7x
topology: tpu7x:2x2x1
jax: 0.10.2.dev20260603
libtpu: 0.0.44.dev20260713+nightly
codegen_flags: <defaults>
</compile_context>

<pallas_src>
import functools

import jax
import jax.numpy as jnp
from jax import lax
from jax.experimental import pallas as pl
from jax.experimental.pallas import tpu as pltpu
from jax.experimental.pallas import tpu_sc as plsc

NC, NS = 2, 16
NW = NC * NS
CHUNK = 128
FAST_SHARE = 0.39
EPS = 1e-5


def _pad_nodes(n):
    per_tile = -(-n // (NS * 8)) * 8 + 8
    return per_tile * NS


def _sc_mesh():
    return plsc.VectorSubcoreMesh(core_axis_name="c", subcore_axis_name="s",
                                  num_cores=NC, num_subcores=NS)


def _make_degree_kernel(n_pad, k):
    rows_per_tile = n_pad // NS
    pieces = rows_per_tile // CHUNK

    @functools.partial(
        pl.kernel,
        out_type=jax.ShapeDtypeStruct((NC, n_pad, CHUNK), jnp.float32),
        mesh=_sc_mesh(),
        scratch_types=[
            pltpu.VMEM_SHARED((n_pad, CHUNK), jnp.float32),
            pltpu.VMEM((k, CHUNK), jnp.int32),
            pltpu.VMEM((CHUNK, CHUNK), jnp.float32),
        ],
    )
    def deg_kernel(dst_hbm, ones_hbm, zeros_hbm, out_hbm,
                   deg_sh, dst_l, buf):
        c = lax.axis_index("c")
        s = lax.axis_index("s")
        wid = c * NS + s
        base = s * rows_per_tile
        pltpu.sync_copy(zeros_hbm, buf)
        for p in range(pieces):
            pltpu.sync_copy(buf, deg_sh.at[pl.ds(base + p * CHUNK, CHUNK)])
        pltpu.sync_copy(ones_hbm, buf)
        pltpu.sync_copy(dst_hbm.at[wid], dst_l)
        plsc.subcore_barrier()

        def step(j, carry):
            pltpu.sync_copy(buf, deg_sh.at[dst_l.at[j]], add=True)
            return carry

        lax.fori_loop(0, k, step, 0)
        plsc.subcore_barrier()
        for p in range(pieces):
            pltpu.sync_copy(deg_sh.at[pl.ds(base + p * CHUNK, CHUNK)], buf)
            pltpu.sync_copy(
                buf, out_hbm.at[c].at[pl.ds(base + p * CHUNK, CHUNK)])

    return deg_kernel


def _make_scatter_kernel(n_pad, k, d):
    rows_per_tile = n_pad // NS
    pieces = rows_per_tile // CHUNK

    @functools.partial(
        pl.kernel,
        out_type=jax.ShapeDtypeStruct((NC, n_pad, d), jnp.float32),
        mesh=_sc_mesh(),
        scratch_types=[
            pltpu.VMEM_SHARED((n_pad, d), jnp.float32),
            pltpu.VMEM((k, CHUNK), jnp.int32),
            pltpu.VMEM((k, CHUNK), jnp.int32),
            pltpu.VMEM((CHUNK, d), jnp.float32),
            pltpu.SemaphoreType.DMA,
        ],
    )
    def mp_kernel(g_hbm, src_hbm, dst_hbm, out_hbm,
                  acc_sh, src_l, dst_l, buf, sem):
        c = lax.axis_index("c")
        s = lax.axis_index("s")
        wid = c * NS + s
        base = s * rows_per_tile
        pltpu.sync_copy(src_hbm.at[wid], src_l)
        pltpu.sync_copy(dst_hbm.at[wid], dst_l)
        for p in range(pieces):
            pltpu.sync_copy(g_hbm.at[pl.ds(base + p * CHUNK, CHUNK)], buf)
            pltpu.sync_copy(buf, acc_sh.at[pl.ds(base + p * CHUNK, CHUNK)])
        plsc.subcore_barrier()

        def step(j, carry):
            pltpu.async_copy(g_hbm.at[src_l.at[j]], buf, sem).wait()
            pltpu.sync_copy(buf, acc_sh.at[dst_l.at[j]], add=True)
            return carry

        lax.fori_loop(0, k, step, 0)
        plsc.subcore_barrier()
        for p in range(pieces):
            pltpu.sync_copy(acc_sh.at[pl.ds(base + p * CHUNK, CHUNK)], buf)
            pltpu.sync_copy(
                buf, out_hbm.at[c].at[pl.ds(base + p * CHUNK, CHUNK)])

    return mp_kernel


def _tc_transform(x_pad, W, c0, c1):
    def body(x_ref, w_ref, c0_ref, c1_ref, g_ref):
        dis = lax.rsqrt(c0_ref[...] + c1_ref[...] + 1.0)
        h = jnp.dot(x_ref[...], w_ref[...],
                    preferred_element_type=jnp.float32)
        g_ref[...] = h * dis

    return pl.pallas_call(
        body,
        out_shape=jax.ShapeDtypeStruct(x_pad.shape, jnp.float32),
    )(x_pad, W, c0, c1)


def _tc_finalize(p0, p1, g, c0, c1, b, gamma, beta):
    def body(p0_ref, p1_ref, g_ref, c0_ref, c1_ref, b_ref, ga_ref, be_ref,
             out_ref):
        dis = lax.rsqrt(c0_ref[...] + c1_ref[...] + 1.0)
        a = p0_ref[...] + p1_ref[...] - g_ref[...]
        r = jnp.maximum(a * dis + b_ref[...], 0.0)
        mean = jnp.mean(r, axis=0, keepdims=True)
        var = jnp.mean((r - mean) ** 2, axis=0, keepdims=True)
        out_ref[...] = (r - mean) * lax.rsqrt(var + EPS) * ga_ref[...] \
            + be_ref[...]

    return pl.pallas_call(
        body,
        out_shape=jax.ShapeDtypeStruct(p0.shape, jnp.float32),
    )(p0, p1, g, c0, c1, b, gamma, beta)


def kernel(x, edge_index, W, b, gamma, beta):
    n, d = x.shape
    e = edge_index.shape[1]
    n_pad = _pad_nodes(n)
    k = -(-e // (NW * CHUNK))
    e_pad = NW * k * CHUNK

    src = edge_index[0]
    dst = edge_index[1]
    fill = jnp.full((e_pad - e,), n, dtype=jnp.int32)
    src3 = jnp.concatenate([src, fill]).reshape(NW, k, CHUNK)
    dst3 = jnp.concatenate([dst, fill]).reshape(NW, k, CHUNK)
    ones_rows = jnp.ones((CHUNK, CHUNK), dtype=jnp.float32)
    zero_rows = jnp.zeros((CHUNK, CHUNK), dtype=jnp.float32)
    deg_parts = _make_degree_kernel(n_pad, k)(dst3, ones_rows, zero_rows)
    c0 = deg_parts[0, :, :1]
    c1 = deg_parts[1, :, :1]

    x_pad = jnp.concatenate(
        [x, jnp.zeros((n_pad - n, d), dtype=jnp.float32)])
    g = _tc_transform(x_pad, W, c0, c1)

    parts = _make_scatter_kernel(n_pad, k, d)(g, src3, dst3)

    out = _tc_finalize(
        parts[0, :n], parts[1, :n], g[:n], c0[:n], c1[:n],
        b.reshape(1, d), gamma.reshape(1, d), beta.reshape(1, d))
    return out

# --- scband reference (transcript-rebuilt; emitter-appended) ---
"""Pipeline reference for scband-gcnencoder-53145925320869 (READ-ONLY COPY).

The authoritative reference and input builder live on the scoring server;
editing this copy changes nothing except your own understanding.
"""

import jax, jax.numpy as jnp
import numpy as np

N, E, D_IN, D_OUT = 10000, 320000, 128, 128
EPS = 1e-5


def setup_inputs(seed: int = 0) -> dict:
    key = jax.random.key(seed)
    k1, k2, k3 = jax.random.split(key, 3)
    x = jax.random.normal(k1, (N, D_IN), dtype=jnp.float32)
    edge_index = jax.random.randint(k2, (2, E), 0, N, dtype=jnp.int32)
    # GCNConv linear weight (glorot-ish init) and bias
    W = jax.random.normal(k3, (D_IN, D_OUT), dtype=jnp.float32) * (1.0 / np.sqrt(D_IN))
    b = jnp.zeros((D_OUT,), dtype=jnp.float32)
    # BatchNorm affine params
    gamma = jnp.ones((D_OUT,), dtype=jnp.float32)
    beta = jnp.zeros((D_OUT,), dtype=jnp.float32)
    return {"x": x, "edge_index": edge_index, "W": W, "b": b, "gamma": gamma, "beta": beta}


def reference(x, edge_index, W, b, gamma, beta):
    n = x.shape[0]
    # GCNConv: add self-loops, symmetric normalization
    loops = jnp.arange(n, dtype=edge_index.dtype)
    src = jnp.concatenate([edge_index[0], loops])
    dst = jnp.concatenate([edge_index[1], loops])
    ones = jnp.ones(src.shape[0], dtype=x.dtype)
    deg = jnp.zeros((n,), dtype=x.dtype).at[dst].add(ones)
    deg_inv_sqrt = jnp.where(deg > 0, deg ** -0.5, 0.0)
    norm = deg_inv_sqrt[src] * deg_inv_sqrt[dst]
    # linear transform then gather-message-scatter aggregate
    h = x @ W
    msgs = h[src] * norm[:, None]
    out = jnp.zeros((n, h.shape[1]), dtype=x.dtype).at[dst].add(msgs)
    out = out + b
    # ReLU
    out = jax.nn.relu(out)
    # BatchNorm over node dimension (training-mode batch statistics)
    mean = jnp.mean(out, axis=0)
    var = jnp.var(out, axis=0)
    out = (out - mean) / jnp.sqrt(var + EPS) * gamma + beta
    return out

if __name__ == "__main__":
    import jax
    _d = setup_inputs()
    print(jax.jit(kernel)(*tuple(_d.values())))

</pallas_src>

<mosaic_0001>
#map = affine_map<(d0, d1) -> (0, 0, 0)>
#map1 = affine_map<(d0, d1) -> (0, 0)>
module attributes {stable_mosaic.version = 14 : i64} {
  func.func @deg_kernel(%arg0: i32, %arg1: i32, %arg2: memref<32x79x128xi32, #tpu.memory_space<hbm>>, %arg3: memref<128x128xf32, #tpu.memory_space<hbm>>, %arg4: memref<128x128xf32, #tpu.memory_space<hbm>>, %arg5: memref<2x10240x128xf32, #tpu.memory_space<hbm>>, %arg6: memref<10240x128xf32, #tpu.memory_space<vmem_shared>>, %arg7: memref<79x128xi32, #tpu.memory_space<vmem>>, %arg8: memref<128x128xf32, #tpu.memory_space<vmem>>) attributes {dimension_semantics = [#tpu.dimension_semantics<core_parallel>, #tpu.dimension_semantics<subcore_parallel>], iteration_bounds = array<i64: 2, 16>, scalar_prefetch = 0 : i64, scratch_operands = 3 : i64, tpu.core_type = #tpu.core_type<sc_vector_subcore>, window_params = [{transform_indices = #map}, {transform_indices = #map1}, {transform_indices = #map1}, {transform_indices = #map}]} {
    %mul3A = arith.constant 16 : i32
    %mul3A_0 = arith.muli %arg0, %mul3A : i32
    %add3A = arith.addi %mul3A_0, %arg1 : i32
    %mul3A_1 = arith.constant 640 : i32
    %mul3A_2 = arith.muli %arg1, %mul3A_1 : i32
    "tpu.region"() ({
      %run_scoped3A = tpu.sem_alloc : memref<!tpu.dma_semaphore, #tpu.memory_space<semaphore_mem>>
      tpu.enqueue_dma source(%arg4 : memref<128x128xf32, #tpu.memory_space<hbm>>) target(%arg8 : memref<128x128xf32, #tpu.memory_space<vmem>>) target_semaphore(%run_scoped3A : memref<!tpu.dma_semaphore, #tpu.memory_space<semaphore_mem>>)
      tpu.wait_dma2 semaphore(%run_scoped3A : memref<!tpu.dma_semaphore, #tpu.memory_space<semaphore_mem>>) src(%arg4 : memref<128x128xf32, #tpu.memory_space<hbm>>) dst(%arg8 : memref<128x128xf32, #tpu.memory_space<vmem>>)
      tpu.yield
    }) : () -> ()
    %add3A_3 = arith.constant 0 : i32
    %add3A_4 = arith.addi %mul3A_2, %add3A_3 : i32
    "tpu.region"() ({
      %run_scoped3A = tpu.sem_alloc : memref<!tpu.dma_semaphore, #tpu.memory_space<semaphore_mem>>
      %dma_start3A = arith.constant 0 : i32
      %dma_start3A_39 = tpu.memref_slice %arg6[%add3A_4, %dma_start3A] : memref<10240x128xf32, #tpu.memory_space<vmem_shared>> -> memref<128x128xf32, #tpu.memory_space<vmem_shared>>
      %dma_start3A_40 = arith.constant 0 : i32
      %dma_start3A_41 = tpu.memref_slice %arg6[%add3A_4, %dma_start3A_40] : memref<10240x128xf32, #tpu.memory_space<vmem_shared>> -> memref<128x128xf32, #tpu.memory_space<vmem_shared>>
      tpu.enqueue_dma source(%arg8 : memref<128x128xf32, #tpu.memory_space<vmem>>) target(%dma_start3A_41 : memref<128x128xf32, #tpu.memory_space<vmem_shared>>) target_semaphore(%run_scoped3A : memref<!tpu.dma_semaphore, #tpu.memory_space<semaphore_mem>>)
      %dma_wait3A = arith.constant 0 : i32
      %dma_wait3A_42 = tpu.memref_slice %arg6[%add3A_4, %dma_wait3A] : memref<10240x128xf32, #tpu.memory_space<vmem_shared>> -> memref<128x128xf32, #tpu.memory_space<vmem_shared>>
      %dma_wait3A_43 = arith.constant 0 : i32
      %dma_wait3A_44 = tpu.memref_slice %arg6[%add3A_4, %dma_wait3A_43] : memref<10240x128xf32, #tpu.memory_space<vmem_shared>> -> memref<128x128xf32, #tpu.memory_space<vmem_shared>>
      tpu.wait_dma2 semaphore(%run_scoped3A : memref<!tpu.dma_semaphore, #tpu.memory_space<semaphore_mem>>) src(%arg8 : memref<128x128xf32, #tpu.memory_space<vmem>>) dst(%dma_wait3A_44 : memref<128x128xf32, #tpu.memory_space<vmem_shared>>)
      tpu.yield
    }) : () -> ()
    %add3A_5 = arith.constant 128 : i32
    %add3A_6 = arith.addi %mul3A_2, %add3A_5 : i32
    "tpu.region"() ({
      %run_scoped3A = tpu.sem_alloc : memref<!tpu.dma_semaphore, #tpu.memory_space<semaphore_mem>>
      %dma_start3A = arith.constant 0 : i32
      %dma_start3A_39 = tpu.memref_slice %arg6[%add3A_6, %dma_start3A] : memref<10240x128xf32, #tpu.memory_space<vmem_shared>> -> memref<128x128xf32, #tpu.memory_space<vmem_shared>>
      %dma_start3A_40 = arith.constant 0 : i32
      %dma_start3A_41 = tpu.memref_slice %arg6[%add3A_6, %dma_start3A_40] : memref<10240x128xf32, #tpu.memory_space<vmem_shared>> -> memref<128x128xf32, #tpu.memory_space<vmem_shared>>
      tpu.enqueue_dma source(%arg8 : memref<128x128xf32, #tpu.memory_space<vmem>>) target(%dma_start3A_41 : memref<128x128xf32, #tpu.memory_space<vmem_shared>>) target_semaphore(%run_scoped3A : memref<!tpu.dma_semaphore, #tpu.memory_space<semaphore_mem>>)
      %dma_wait3A = arith.constant 0 : i32
      %dma_wait3A_42 = tpu.memref_slice %arg6[%add3A_6, %dma_wait3A] : memref<10240x128xf32, #tpu.memory_space<vmem_shared>> -> memref<128x128xf32, #tpu.memory_space<vmem_shared>>
      %dma_wait3A_43 = arith.constant 0 : i32
      %dma_wait3A_44 = tpu.memref_slice %arg6[%add3A_6, %dma_wait3A_43] : memref<10240x128xf32, #tpu.memory_space<vmem_shared>> -> memref<128x128xf32, #tpu.memory_space<vmem_shared>>
      tpu.wait_dma2 semaphore(%run_scoped3A : memref<!tpu.dma_semaphore, #tpu.memory_space<semaphore_mem>>) src(%arg8 : memref<128x128xf32, #tpu.memory_space<vmem>>) dst(%dma_wait3A_44 : memref<128x128xf32, #tpu.memory_space<vmem_shared>>)
      tpu.yield
    }) : () -> ()
    %add3A_7 = arith.constant 256 : i32
    %add3A_8 = arith.addi %mul3A_2, %add3A_7 : i32
    "tpu.region"() ({
      %run_scoped3A = tpu.sem_alloc : memref<!tpu.dma_semaphore, #tpu.memory_space<semaphore_mem>>
      %dma_start3A = arith.constant 0 : i32
      %dma_start3A_39 = tpu.memref_slice %arg6[%add3A_8, %dma_start3A] : memref<10240x128xf32, #tpu.memory_space<vmem_shared>> -> memref<128x128xf32, #tpu.memory_space<vmem_shared>>
      %dma_start3A_40 = arith.constant 0 : i32
      %dma_start3A_41 = tpu.memref_slice %arg6[%add3A_8, %dma_start3A_40] : memref<10240x128xf32, #tpu.memory_space<vmem_shared>> -> memref<128x128xf32, #tpu.memory_space<vmem_shared>>
      tpu.enqueue_dma source(%arg8 : memref<128x128xf32, #tpu.memory_space<vmem>>) target(%dma_start3A_41 : memref<128x128xf32, #tpu.memory_space<vmem_shared>>) target_semaphore(%run_scoped3A : memref<!tpu.dma_semaphore, #tpu.memory_space<semaphore_mem>>)
      %dma_wait3A = arith.constant 0 : i32
      %dma_wait3A_42 = tpu.memref_slice %arg6[%add3A_8, %dma_wait3A] : memref<10240x128xf32, #tpu.memory_space<vmem_shared>> -> memref<128x128xf32, #tpu.memory_space<vmem_shared>>
      %dma_wait3A_43 = arith.constant 0 : i32
      %dma_wait3A_44 = tpu.memref_slice %arg6[%add3A_8, %dma_wait3A_43] : memref<10240x128xf32, #tpu.memory_space<vmem_shared>> -> memref<128x128xf32, #tpu.memory_space<vmem_shared>>
      tpu.wait_dma2 semaphore(%run_scoped3A : memref<!tpu.dma_semaphore, #tpu.memory_space<semaphore_mem>>) src(%arg8 : memref<128x128xf32, #tpu.memory_space<vmem>>) dst(%dma_wait3A_44 : memref<128x128xf32, #tpu.memory_space<vmem_shared>>)
      tpu.yield
    }) : () -> ()
    %add3A_9 = arith.constant 384 : i32
    %add3A_10 = arith.addi %mul3A_2, %add3A_9 : i32
    "tpu.region"() ({
      %run_scoped3A = tpu.sem_alloc : memref<!tpu.dma_semaphore, #tpu.memory_space<semaphore_mem>>
      %dma_start3A = arith.constant 0 : i32
      %dma_start3A_39 = tpu.memref_slice %arg6[%add3A_10, %dma_start3A] : memref<10240x128xf32, #tpu.memory_space<vmem_shared>> -> memref<128x128xf32, #tpu.memory_space<vmem_shared>>
      %dma_start3A_40 = arith.constant 0 : i32
      %dma_start3A_41 = tpu.memref_slice %arg6[%add3A_10, %dma_start3A_40] : memref<10240x128xf32, #tpu.memory_space<vmem_shared>> -> memref<128x128xf32, #tpu.memory_space<vmem_shared>>
      tpu.enqueue_dma source(%arg8 : memref<128x128xf32, #tpu.memory_space<vmem>>) target(%dma_start3A_41 : memref<128x128xf32, #tpu.memory_space<vmem_shared>>) target_semaphore(%run_scoped3A : memref<!tpu.dma_semaphore, #tpu.memory_space<semaphore_mem>>)
      %dma_wait3A = arith.constant 0 : i32
      %dma_wait3A_42 = tpu.memref_slice %arg6[%add3A_10, %dma_wait3A] : memref<10240x128xf32, #tpu.memory_space<vmem_shared>> -> memref<128x128xf32, #tpu.memory_space<vmem_shared>>
      %dma_wait3A_43 = arith.constant 0 : i32
      %dma_wait3A_44 = tpu.memref_slice %arg6[%add3A_10, %dma_wait3A_43] : memref<10240x128xf32, #tpu.memory_space<vmem_shared>> -> memref<128x128xf32, #tpu.memory_space<vmem_shared>>
      tpu.wait_dma2 semaphore(%run_scoped3A : memref<!tpu.dma_semaphore, #tpu.memory_space<semaphore_mem>>) src(%arg8 : memref<128x128xf32, #tpu.memory_space<vmem>>) dst(%dma_wait3A_44 : memref<128x128xf32, #tpu.memory_space<vmem_shared>>)
      tpu.yield
    }) : () -> ()
    %add3A_11 = arith.constant 512 : i32
    %add3A_12 = arith.addi %mul3A_2, %add3A_11 : i32
    "tpu.region"() ({
      %run_scoped3A = tpu.sem_alloc : memref<!tpu.dma_semaphore, #tpu.memory_space<semaphore_mem>>
      %dma_start3A = arith.constant 0 : i32
      %dma_start3A_39 = tpu.memref_slice %arg6[%add3A_12, %dma_start3A] : memref<10240x128xf32, #tpu.memory_space<vmem_shared>> -> memref<128x128xf32, #tpu.memory_space<vmem_shared>>
      %dma_start3A_40 = arith.constant 0 : i32
      %dma_start3A_41 = tpu.memref_slice %arg6[%add3A_12, %dma_start3A_40] : memref<10240x128xf32, #tpu.memory_space<vmem_shared>> -> memref<128x128xf32, #tpu.memory_space<vmem_shared>>
      tpu.enqueue_dma source(%arg8 : memref<128x128xf32, #tpu.memory_space<vmem>>) target(%dma_start3A_41 : memref<128x128xf32, #tpu.memory_space<vmem_shared>>) target_semaphore(%run_scoped3A : memref<!tpu.dma_semaphore, #tpu.memory_space<semaphore_mem>>)
      %dma_wait3A = arith.constant 0 : i32
      %dma_wait3A_42 = tpu.memref_slice %arg6[%add3A_12, %dma_wait3A] : memref<10240x128xf32, #tpu.memory_space<vmem_shared>> -> memref<128x128xf32, #tpu.memory_space<vmem_shared>>
      %dma_wait3A_43 = arith.constant 0 : i32
      %dma_wait3A_44 = tpu.memref_slice %arg6[%add3A_12, %dma_wait3A_43] : memref<10240x128xf32, #tpu.memory_space<vmem_shared>> -> memref<128x128xf32, #tpu.memory_space<vmem_shared>>
      tpu.wait_dma2 semaphore(%run_scoped3A : memref<!tpu.dma_semaphore, #tpu.memory_space<semaphore_mem>>) src(%arg8 : memref<128x128xf32, #tpu.memory_space<vmem>>) dst(%dma_wait3A_44 : memref<128x128xf32, #tpu.memory_space<vmem_shared>>)
      tpu.yield
    }) : () -> ()
    "tpu.region"() ({
      %run_scoped3A = tpu.sem_alloc : memref<!tpu.dma_semaphore, #tpu.memory_space<semaphore_mem>>
      tpu.enqueue_dma source(%arg3 : memref<128x128xf32, #tpu.memory_space<hbm>>) target(%arg8 : memref<128x128xf32, #tpu.memory_space<vmem>>) target_semaphore(%run_scoped3A : memref<!tpu.dma_semaphore, #tpu.memory_space<semaphore_mem>>)
      tpu.wait_dma2 semaphore(%run_scoped3A : memref<!tpu.dma_semaphore, #tpu.memory_space<semaphore_mem>>) src(%arg3 : memref<128x128xf32, #tpu.memory_space<hbm>>) dst(%arg8 : memref<128x128xf32, #tpu.memory_space<vmem>>)
      tpu.yield
    }) : () -> ()
    "tpu.region"() ({
      %run_scoped3A = tpu.sem_alloc : memref<!tpu.dma_semaphore, #tpu.memory_space<semaphore_mem>>
      %dma_start3A = arith.constant 0 : i32
      %dma_start3A_39 = arith.constant 0 : i32
      %dma_start3A_40 = tpu.memref_slice %arg2[%add3A, %dma_start3A, %dma_start3A_39] : memref<32x79x128xi32, #tpu.memory_space<hbm>> -> memref<1x79x128xi32, #tpu.memory_space<hbm>>
      %dma_start3A_41 = tpu.memref_squeeze %dma_start3A_40 : memref<1x79x128xi32, #tpu.memory_space<hbm>> -> memref<79x128xi32, #tpu.memory_space<hbm>>
      %dma_start3A_42 = arith.constant 0 : i32
      %dma_start3A_43 = arith.constant 0 : i32
      %dma_start3A_44 = tpu.memref_slice %arg2[%add3A, %dma_start3A_42, %dma_start3A_43] : memref<32x79x128xi32, #tpu.memory_space<hbm>> -> memref<1x79x128xi32, #tpu.memory_space<hbm>>
      %dma_start3A_45 = tpu.memref_squeeze %dma_start3A_44 : memref<1x79x128xi32, #tpu.memory_space<hbm>> -> memref<79x128xi32, #tpu.memory_space<hbm>>
      tpu.enqueue_dma source(%dma_start3A_45 : memref<79x128xi32, #tpu.memory_space<hbm>>) target(%arg7 : memref<79x128xi32, #tpu.memory_space<vmem>>) target_semaphore(%run_scoped3A : memref<!tpu.dma_semaphore, #tpu.memory_space<semaphore_mem>>)
      %dma_wait3A = arith.constant 0 : i32
      %dma_wait3A_46 = arith.constant 0 : i32
      %dma_wait3A_47 = tpu.memref_slice %arg2[%add3A, %dma_wait3A, %dma_wait3A_46] : memref<32x79x128xi32, #tpu.memory_space<hbm>> -> memref<1x79x128xi32, #tpu.memory_space<hbm>>
      %dma_wait3A_48 = tpu.memref_squeeze %dma_wait3A_47 : memref<1x79x128xi32, #tpu.memory_space<hbm>> -> memref<79x128xi32, #tpu.memory_space<hbm>>
      %dma_wait3A_49 = arith.constant 0 : i32
      %dma_wait3A_50 = arith.constant 0 : i32
      %dma_wait3A_51 = tpu.memref_slice %arg2[%add3A, %dma_wait3A_49, %dma_wait3A_50] : memref<32x79x128xi32, #tpu.memory_space<hbm>> -> memref<1x79x128xi32, #tpu.memory_space<hbm>>
      %dma_wait3A_52 = tpu.memref_squeeze %dma_wait3A_51 : memref<1x79x128xi32, #tpu.memory_space<hbm>> -> memref<79x128xi32, #tpu.memory_space<hbm>>
      tpu.wait_dma2 semaphore(%run_scoped3A : memref<!tpu.dma_semaphore, #tpu.memory_space<semaphore_mem>>) src(%dma_wait3A_52 : memref<79x128xi32, #tpu.memory_space<hbm>>) dst(%arg7 : memref<79x128xi32, #tpu.memory_space<vmem>>)
      tpu.yield
    }) : () -> ()
    %barrier3A = arith.constant 0 : index
    tpu.barrier barrier_id(%barrier3A)
    %scan3A = arith.constant 0 : i32
    %scan3A_13 = arith.constant 0 : i32
    %scan3A_14 = arith.constant 79 : i32
    %scan3A_15 = arith.addi %scan3A_13, %scan3A_14 : i32
    %scan3A_16 = arith.constant 1 : i32
    scf.for %scan3A_39 = %scan3A_13 to %scan3A_15 step %scan3A_16  : i32 {
      "tpu.region"() ({
        %run_scoped3A = tpu.sem_alloc : memref<!tpu.dma_semaphore, #tpu.memory_space<semaphore_mem>>
        %dma_start3A = arith.constant 0 : i32
        %dma_start3A_40 = tpu.memref_slice %arg7[%scan3A_39, %dma_start3A] : memref<79x128xi32, #tpu.memory_space<vmem>> -> memref<1x128xi32, #tpu.memory_space<vmem>>
        %dma_start3A_41 = tpu.memref_squeeze %dma_start3A_40 : memref<1x128xi32, #tpu.memory_space<vmem>> -> memref<128xi32, #tpu.memory_space<vmem>>
        %dma_start3A_42 = arith.constant 0 : i32
        %dma_start3A_43 = arith.constant 0 : i32
        %dma_start3A_44 = tpu.memref_slice %arg6[%dma_start3A_42, %dma_start3A_43] : memref<10240x128xf32, #tpu.memory_space<vmem_shared>> -> memref<10240x128xf32, #tpu.memory_space<vmem_shared>>
        tpu.enqueue_indirect_dma source(%arg8 : memref<128x128xf32, #tpu.memory_space<vmem>>) target(%dma_start3A_44 : memref<10240x128xf32, #tpu.memory_space<vmem_shared>>) offsets(%dma_start3A_41 : memref<128xi32, #tpu.memory_space<vmem>>) semaphore(%run_scoped3A : memref<!tpu.dma_semaphore, #tpu.memory_space<semaphore_mem>>) {add = true}
        %dma_wait3A = arith.constant 0 : i32
        %dma_wait3A_45 = tpu.memref_slice %arg7[%scan3A_39, %dma_wait3A] : memref<79x128xi32, #tpu.memory_space<vmem>> -> memref<1x128xi32, #tpu.memory_space<vmem>>
        %dma_wait3A_46 = tpu.memref_squeeze %dma_wait3A_45 : memref<1x128xi32, #tpu.memory_space<vmem>> -> memref<128xi32, #tpu.memory_space<vmem>>
        %dma_wait3A_47 = arith.constant 0 : i32
        %dma_wait3A_48 = arith.constant 0 : i32
        %dma_wait3A_49 = tpu.memref_slice %arg6[%dma_wait3A_47, %dma_wait3A_48] : memref<10240x128xf32, #tpu.memory_space<vmem_shared>> -> memref<10240x128xf32, #tpu.memory_space<vmem_shared>>
        tpu.wait_indirect_dma semaphore(%run_scoped3A : memref<!tpu.dma_semaphore, #tpu.memory_space<semaphore_mem>>) src(%arg8 : memref<128x128xf32, #tpu.memory_space<vmem>>) dst(%dma_wait3A_49 : memref<10240x128xf32, #tpu.memory_space<vmem_shared>>)
        tpu.yield
      }) : () -> ()
    }
    %scan3A_17 = arith.constant 79 : i32
    %barrier3A_18 = arith.constant 0 : index
    tpu.barrier barrier_id(%barrier3A_18)
    %add3A_19 = arith.constant 0 : i32
    %add3A_20 = arith.addi %mul3A_2, %add3A_19 : i32
    "tpu.region"() ({
      %run_scoped3A = tpu.sem_alloc : memref<!tpu.dma_semaphore, #tpu.memory_space<semaphore_mem>>
      %dma_start3A = arith.constant 0 : i32
      %dma_start3A_39 = tpu.memref_slice %arg6[%add3A_20, %dma_start3A] : memref<10240x128xf32, #tpu.memory_space<vmem_shared>> -> memref<128x128xf32, #tpu.memory_space<vmem_shared>>
      %dma_start3A_40 = arith.constant 0 : i32
      %dma_start3A_41 = tpu.memref_slice %arg6[%add3A_20, %dma_start3A_40] : memref<10240x128xf32, #tpu.memory_space<vmem_shared>> -> memref<128x128xf32, #tpu.memory_space<vmem_shared>>
      tpu.enqueue_dma source(%dma_start3A_41 : memref<128x128xf32, #tpu.memory_space<vmem_shared>>) target(%arg8 : memref<128x128xf32, #tpu.memory_space<vmem>>) target_semaphore(%run_scoped3A : memref<!tpu.dma_semaphore, #tpu.memory_space<semaphore_mem>>)
      %dma_wait3A = arith.constant 0 : i32
      %dma_wait3A_42 = tpu.memref_slice %arg6[%add3A_20, %dma_wait3A] : memref<10240x128xf32, #tpu.memory_space<vmem_shared>> -> memref<128x128xf32, #tpu.memory_space<vmem_shared>>
      %dma_wait3A_43 = arith.constant 0 : i32
      %dma_wait3A_44 = tpu.memref_slice %arg6[%add3A_20, %dma_wait3A_43] : memref<10240x128xf32, #tpu.memory_space<vmem_shared>> -> memref<128x128xf32, #tpu.memory_space<vmem_shared>>
      tpu.wait_dma2 semaphore(%run_scoped3A : memref<!tpu.dma_semaphore, #tpu.memory_space<semaphore_mem>>) src(%dma_wait3A_44 : memref<128x128xf32, #tpu.memory_space<vmem_shared>>) dst(%arg8 : memref<128x128xf32, #tpu.memory_space<vmem>>)
      tpu.yield
    }) : () -> ()
    %add3A_21 = arith.constant 0 : i32
    %add3A_22 = arith.addi %mul3A_2, %add3A_21 : i32
    "tpu.region"() ({
      %run_scoped3A = tpu.sem_alloc : memref<!tpu.dma_semaphore, #tpu.memory_space<semaphore_mem>>
      %dma_start3A = arith.constant 0 : i32
      %dma_start3A_39 = arith.constant 0 : i32
      %dma_start3A_40 = tpu.memref_slice %arg5[%arg0, %dma_start3A, %dma_start3A_39] : memref<2x10240x128xf32, #tpu.memory_space<hbm>> -> memref<1x10240x128xf32, #tpu.memory_space<hbm>>
      %dma_start3A_41 = tpu.memref_squeeze %dma_start3A_40 : memref<1x10240x128xf32, #tpu.memory_space<hbm>> -> memref<10240x128xf32, #tpu.memory_space<hbm>>
      %dma_start3A_42 = arith.constant 0 : i32
      %dma_start3A_43 = tpu.memref_slice %dma_start3A_41[%add3A_22, %dma_start3A_42] : memref<10240x128xf32, #tpu.memory_space<hbm>> -> memref<128x128xf32, #tpu.memory_space<hbm>>
      %dma_start3A_44 = arith.constant 0 : i32
      %dma_start3A_45 = arith.constant 0 : i32
      %dma_start3A_46 = tpu.memref_slice %arg5[%arg0, %dma_start3A_44, %dma_start3A_45] : memref<2x10240x128xf32, #tpu.memory_space<hbm>> -> memref<1x10240x128xf32, #tpu.memory_space<hbm>>
      %dma_start3A_47 = tpu.memref_squeeze %dma_start3A_46 : memref<1x10240x128xf32, #tpu.memory_space<hbm>> -> memref<10240x128xf32, #tpu.memory_space<hbm>>
      %dma_start3A_48 = arith.constant 0 : i32
      %dma_start3A_49 = tpu.memref_slice %dma_start3A_47[%add3A_22, %dma_start3A_48] : memref<10240x128xf32, #tpu.memory_space<hbm>> -> memref<128x128xf32, #tpu.memory_space<hbm>>
      tpu.enqueue_dma source(%arg8 : memref<128x128xf32, #tpu.memory_space<vmem>>) target(%dma_start3A_49 : memref<128x128xf32, #tpu.memory_space<hbm>>) target_semaphore(%run_scoped3A : memref<!tpu.dma_semaphore, #tpu.memory_space<semaphore_mem>>)
      %dma_wait3A = arith.constant 0 : i32
      %dma_wait3A_50 = arith.constant 0 : i32
      %dma_wait3A_51 = tpu.memref_slice %arg5[%arg0, %dma_wait3A, %dma_wait3A_50] : memref<2x10240x128xf32, #tpu.memory_space<hbm>> -> memref<1x10240x128xf32, #tpu.memory_space<hbm>>
      %dma_wait3A_52 = tpu.memref_squeeze %dma_wait3A_51 : memref<1x10240x128xf32, #tpu.memory_space<hbm>> -> memref<10240x128xf32, #tpu.memory_space<hbm>>
      %dma_wait3A_53 = arith.constant 0 : i32
      %dma_wait3A_54 = tpu.memref_slice %dma_wait3A_52[%add3A_22, %dma_wait3A_53] : memref<10240x128xf32, #tpu.memory_space<hbm>> -> memref<128x128xf32, #tpu.memory_space<hbm>>
      %dma_wait3A_55 = arith.constant 0 : i32
      %dma_wait3A_56 = arith.constant 0 : i32
      %dma_wait3A_57 = tpu.memref_slice %arg5[%arg0, %dma_wait3A_55, %dma_wait3A_56] : memref<2x10240x128xf32, #tpu.memory_space<hbm>> -> memref<1x10240x128xf32, #tpu.memory_space<hbm>>
      %dma_wait3A_58 = tpu.memref_squeeze %dma_wait3A_57 : memref<1x10240x128xf32, #tpu.memory_space<hbm>> -> memref<10240x128xf32, #tpu.memory_space<hbm>>
      %dma_wait3A_59 = arith.constant 0 : i32
      %dma_wait3A_60 = tpu.memref_slice %dma_wait3A_58[%add3A_22, %dma_wait3A_59] : memref<10240x128xf32, #tpu.memory_space<hbm>> -> memref<128x128xf32, #tpu.memory_space<hbm>>
      tpu.wait_dma2 semaphore(%run_scoped3A : memref<!tpu.dma_semaphore, #tpu.memory_space<semaphore_mem>>) src(%arg8 : memref<128x128xf32, #tpu.memory_space<vmem>>) dst(%dma_wait3A_60 : memref<128x128xf32, #tpu.memory_space<hbm>>)
      tpu.yield
    }) : () -> ()
    %add3A_23 = arith.constant 128 : i32
    %add3A_24 = arith.addi %mul3A_2, %add3A_23 : i32
    "tpu.region"() ({
      %run_scoped3A = tpu.sem_alloc : memref<!tpu.dma_semaphore, #tpu.memory_space<semaphore_mem>>
      %dma_start3A = arith.constant 0 : i32
      %dma_start3A_39 = tpu.memref_slice %arg6[%add3A_24, %dma_start3A] : memref<10240x128xf32, #tpu.memory_space<vmem_shared>> -> memref<128x128xf32, #tpu.memory_space<vmem_shared>>
      %dma_start3A_40 = arith.constant 0 : i32
      %dma_start3A_41 = tpu.memref_slice %arg6[%add3A_24, %dma_start3A_40] : memref<10240x128xf32, #tpu.memory_space<vmem_shared>> -> memref<128x128xf32, #tpu.memory_space<vmem_shared>>
      tpu.enqueue_dma source(%dma_start3A_41 : memref<128x128xf32, #tpu.memory_space<vmem_shared>>) target(%arg8 : memref<128x128xf32, #tpu.memory_space<vmem>>) target_semaphore(%run_scoped3A : memref<!tpu.dma_semaphore, #tpu.memory_space<semaphore_mem>>)
      %dma_wait3A = arith.constant 0 : i32
      %dma_wait3A_42 = tpu.memref_slice %arg6[%add3A_24, %dma_wait3A] : memref<10240x128xf32, #tpu.memory_space<vmem_shared>> -> memref<128x128xf32, #tpu.memory_space<vmem_shared>>
      %dma_wait3A_43 = arith.constant 0 : i32
      %dma_wait3A_44 = tpu.memref_slice %arg6[%add3A_24, %dma_wait3A_43] : memref<10240x128xf32, #tpu.memory_space<vmem_shared>> -> memref<128x128xf32, #tpu.memory_space<vmem_shared>>
      tpu.wait_dma2 semaphore(%run_scoped3A : memref<!tpu.dma_semaphore, #tpu.memory_space<semaphore_mem>>) src(%dma_wait3A_44 : memref<128x128xf32, #tpu.memory_space<vmem_shared>>) dst(%arg8 : memref<128x128xf32, #tpu.memory_space<vmem>>)
      tpu.yield
    }) : () -> ()
    %add3A_25 = arith.constant 128 : i32
    %add3A_26 = arith.addi %mul3A_2, %add3A_25 : i32
    "tpu.region"() ({
      %run_scoped3A = tpu.sem_alloc : memref<!tpu.dma_semaphore, #tpu.memory_space<semaphore_mem>>
      %dma_start3A = arith.constant 0 : i32
      %dma_start3A_39 = arith.constant 0 : i32
      %dma_start3A_40 = tpu.memref_slice %arg5[%arg0, %dma_start3A, %dma_start3A_39] : memref<2x10240x128xf32, #tpu.memory_space<hbm>> -> memref<1x10240x128xf32, #tpu.memory_space<hbm>>
      %dma_start3A_41 = tpu.memref_squeeze %dma_start3A_40 : memref<1x10240x128xf32, #tpu.memory_space<hbm>> -> memref<10240x128xf32, #tpu.memory_space<hbm>>
      %dma_start3A_42 = arith.constant 0 : i32
      %dma_start3A_43 = tpu.memref_slice %dma_start3A_41[%add3A_26, %dma_start3A_42] : memref<10240x128xf32, #tpu.memory_space<hbm>> -> memref<128x128xf32, #tpu.memory_space<hbm>>
      %dma_start3A_44 = arith.constant 0 : i32
      %dma_start3A_45 = arith.constant 0 : i32
      %dma_start3A_46 = tpu.memref_slice %arg5[%arg0, %dma_start3A_44, %dma_start3A_45] : memref<2x10240x128xf32, #tpu.memory_space<hbm>> -> memref<1x10240x128xf32, #tpu.memory_space<hbm>>
      %dma_start3A_47 = tpu.memref_squeeze %dma_start3A_46 : memref<1x10240x128xf32, #tpu.memory_space<hbm>> -> memref<10240x128xf32, #tpu.memory_space<hbm>>
      %dma_start3A_48 = arith.constant 0 : i32
      %dma_start3A_49 = tpu.memref_slice %dma_start3A_47[%add3A_26, %dma_start3A_48] : memref<10240x128xf32, #tpu.memory_space<hbm>> -> memref<128x128xf32, #tpu.memory_space<hbm>>
      tpu.enqueue_dma source(%arg8 : memref<128x128xf32, #tpu.memory_space<vmem>>) target(%dma_start3A_49 : memref<128x128xf32, #tpu.memory_space<hbm>>) target_semaphore(%run_scoped3A : memref<!tpu.dma_semaphore, #tpu.memory_space<semaphore_mem>>)
      %dma_wait3A = arith.constant 0 : i32
      %dma_wait3A_50 = arith.constant 0 : i32
      %dma_wait3A_51 = tpu.memref_slice %arg5[%arg0, %dma_wait3A, %dma_wait3A_50] : memref<2x10240x128xf32, #tpu.memory_space<hbm>> -> memref<1x10240x128xf32, #tpu.memory_space<hbm>>
      %dma_wait3A_52 = tpu.memref_squeeze %dma_wait3A_51 : memref<1x10240x128xf32, #tpu.memory_space<hbm>> -> memref<10240x128xf32, #tpu.memory_space<hbm>>
      %dma_wait3A_53 = arith.constant 0 : i32
      %dma_wait3A_54 = tpu.memref_slice %dma_wait3A_52[%add3A_26, %dma_wait3A_53] : memref<10240x128xf32, #tpu.memory_space<hbm>> -> memref<128x128xf32, #tpu.memory_space<hbm>>
      %dma_wait3A_55 = arith.constant 0 : i32
      %dma_wait3A_56 = arith.constant 0 : i32
      %dma_wait3A_57 = tpu.memref_slice %arg5[%arg0, %dma_wait3A_55, %dma_wait3A_56] : memref<2x10240x128xf32, #tpu.memory_space<hbm>> -> memref<1x10240x128xf32, #tpu.memory_space<hbm>>
      %dma_wait3A_58 = tpu.memref_squeeze %dma_wait3A_57 : memref<1x10240x128xf32, #tpu.memory_space<hbm>> -> memref<10240x128xf32, #tpu.memory_space<hbm>>
      %dma_wait3A_59 = arith.constant 0 : i32
      %dma_wait3A_60 = tpu.memref_slice %dma_wait3A_58[%add3A_26, %dma_wait3A_59] : memref<10240x128xf32, #tpu.memory_space<hbm>> -> memref<128x128xf32, #tpu.memory_space<hbm>>
      tpu.wait_dma2 semaphore(%run_scoped3A : memref<!tpu.dma_semaphore, #tpu.memory_space<semaphore_mem>>) src(%arg8 : memref<128x128xf32, #tpu.memory_space<vmem>>) dst(%dma_wait3A_60 : memref<128x128xf32, #tpu.memory_space<hbm>>)
      tpu.yield
    }) : () -> ()
    %add3A_27 = arith.constant 256 : i32
    %add3A_28 = arith.addi %mul3A_2, %add3A_27 : i32
    "tpu.region"() ({
      %run_scoped3A = tpu.sem_alloc : memref<!tpu.dma_semaphore, #tpu.memory_space<semaphore_mem>>
      %dma_start3A = arith.constant 0 : i32
      %dma_start3A_39 = tpu.memref_slice %arg6[%add3A_28, %dma_start3A] : memref<10240x128xf32, #tpu.memory_space<vmem_shared>> -> memref<128x128xf32, #tpu.memory_space<vmem_shared>>
      %dma_start3A_40 = arith.constant 0 : i32
      %dma_start3A_41 = tpu.memref_slice %arg6[%add3A_28, %dma_start3A_40] : memref<10240x128xf32, #tpu.memory_space<vmem_shared>> -> memref<128x128xf32, #tpu.memory_space<vmem_shared>>
      tpu.enqueue_dma source(%dma_start3A_41 : memref<128x128xf32, #tpu.memory_space<vmem_shared>>) target(%arg8 : memref<128x128xf32, #tpu.memory_space<vmem>>) target_semaphore(%run_scoped3A : memref<!tpu.dma_semaphore, #tpu.memory_space<semaphore_mem>>)
      %dma_wait3A = arith.constant 0 : i32
      %dma_wait3A_42 = tpu.memref_slice %arg6[%add3A_28, %dma_wait3A] : memref<10240x128xf32, #tpu.memory_space<vmem_shared>> -> memref<128x128xf32, #tpu.memory_space<vmem_shared>>
      %dma_wait3A_43 = arith.constant 0 : i32
      %dma_wait3A_44 = tpu.memref_slice %arg6[%add3A_28, %dma_wait3A_43] : memref<10240x128xf32, #tpu.memory_space<vmem_shared>> -> memref<128x128xf32, #tpu.memory_space<vmem_shared>>
      tpu.wait_dma2 semaphore(%run_scoped3A : memref<!tpu.dma_semaphore, #tpu.memory_space<semaphore_mem>>) src(%dma_wait3A_44 : memref<128x128xf32, #tpu.memory_space<vmem_shared>>) dst(%arg8 : memref<128x128xf32, #tpu.memory_space<vmem>>)
      tpu.yield
    }) : () -> ()
    %add3A_29 = arith.constant 256 : i32
    %add3A_30 = arith.addi %mul3A_2, %add3A_29 : i32
    "tpu.region"() ({
      %run_scoped3A = tpu.sem_alloc : memref<!tpu.dma_semaphore, #tpu.memory_space<semaphore_mem>>
      %dma_start3A = arith.constant 0 : i32
      %dma_start3A_39 = arith.constant 0 : i32
      %dma_start3A_40 = tpu.memref_slice %arg5[%arg0, %dma_start3A, %dma_start3A_39] : memref<2x10240x128xf32, #tpu.memory_space<hbm>> -> memref<1x10240x128xf32, #tpu.memory_space<hbm>>
      %dma_start3A_41 = tpu.memref_squeeze %dma_start3A_40 : memref<1x10240x128xf32, #tpu.memory_space<hbm>> -> memref<10240x128xf32, #tpu.memory_space<hbm>>
      %dma_start3A_42 = arith.constant 0 : i32
      %dma_start3A_43 = tpu.memref_slice %dma_start3A_41[%add3A_30, %dma_start3A_42] : memref<10240x128xf32, #tpu.memory_space<hbm>> -> memref<128x128xf32, #tpu.memory_space<hbm>>
      %dma_start3A_44 = arith.constant 0 : i32
      %dma_start3A_45 = arith.constant 0 : i32
      %dma_start3A_46 = tpu.memref_slice %arg5[%arg0, %dma_start3A_44, %dma_start3A_45] : memref<2x10240x128xf32, #tpu.memory_space<hbm>> -> memref<1x10240x128xf32, #tpu.memory_space<hbm>>
      %dma_start3A_47 = tpu.memref_squeeze %dma_start3A_46 : memref<1x10240x128xf32, #tpu.memory_space<hbm>> -> memref<10240x128xf32, #tpu.memory_space<hbm>>
      %dma_start3A_48 = arith.constant 0 : i32
      %dma_start3A_49 = tpu.memref_slice %dma_start3A_47[%add3A_30, %dma_start3A_48] : memref<10240x128xf32, #tpu.memory_space<hbm>> -> memref<128x128xf32, #tpu.memory_space<hbm>>
      tpu.enqueue_dma source(%arg8 : memref<128x128xf32, #tpu.memory_space<vmem>>) target(%dma_start3A_49 : memref<128x128xf32, #tpu.memory_space<hbm>>) target_semaphore(%run_scoped3A : memref<!tpu.dma_semaphore, #tpu.memory_space<semaphore_mem>>)
      %dma_wait3A = arith.constant 0 : i32
      %dma_wait3A_50 = arith.constant 0 : i32
      %dma_wait3A_51 = tpu.memref_slice %arg5[%arg0, %dma_wait3A, %dma_wait3A_50] : memref<2x10240x128xf32, #tpu.memory_space<hbm>> -> memref<1x10240x128xf32, #tpu.memory_space<hbm>>
      %dma_wait3A_52 = tpu.memref_squeeze %dma_wait3A_51 : memref<1x10240x128xf32, #tpu.memory_space<hbm>> -> memref<10240x128xf32, #tpu.memory_space<hbm>>
      %dma_wait3A_53 = arith.constant 0 : i32
      %dma_wait3A_54 = tpu.memref_slice %dma_wait3A_52[%add3A_30, %dma_wait3A_53] : memref<10240x128xf32, #tpu.memory_space<hbm>> -> memref<128x128xf32, #tpu.memory_space<hbm>>
      %dma_wait3A_55 = arith.constant 0 : i32
      %dma_wait3A_56 = arith.constant 0 : i32
      %dma_wait3A_57 = tpu.memref_slice %arg5[%arg0, %dma_wait3A_55, %dma_wait3A_56] : memref<2x10240x128xf32, #tpu.memory_space<hbm>> -> memref<1x10240x128xf32, #tpu.memory_space<hbm>>
      %dma_wait3A_58 = tpu.memref_squeeze %dma_wait3A_57 : memref<1x10240x128xf32, #tpu.memory_space<hbm>> -> memref<10240x128xf32, #tpu.memory_space<hbm>>
      %dma_wait3A_59 = arith.constant 0 : i32
      %dma_wait3A_60 = tpu.memref_slice %dma_wait3A_58[%add3A_30, %dma_wait3A_59] : memref<10240x128xf32, #tpu.memory_space<hbm>> -> memref<128x128xf32, #tpu.memory_space<hbm>>
      tpu.wait_dma2 semaphore(%run_scoped3A : memref<!tpu.dma_semaphore, #tpu.memory_space<semaphore_mem>>) src(%arg8 : memref<128x128xf32, #tpu.memory_space<vmem>>) dst(%dma_wait3A_60 : memref<128x128xf32, #tpu.memory_space<hbm>>)
      tpu.yield
    }) : () -> ()
    %add3A_31 = arith.constant 384 : i32
    %add3A_32 = arith.addi %mul3A_2, %add3A_31 : i32
    "tpu.region"() ({
      %run_scoped3A = tpu.sem_alloc : memref<!tpu.dma_semaphore, #tpu.memory_space<semaphore_mem>>
      %dma_start3A = arith.constant 0 : i32
      %dma_start3A_39 = tpu.memref_slice %arg6[%add3A_32, %dma_start3A] : memref<10240x128xf32, #tpu.memory_space<vmem_shared>> -> memref<128x128xf32, #tpu.memory_space<vmem_shared>>
      %dma_start3A_40 = arith.constant 0 : i32
      %dma_start3A_41 = tpu.memref_slice %arg6[%add3A_32, %dma_start3A_40] : memref<10240x128xf32, #tpu.memory_space<vmem_shared>> -> memref<128x128xf32, #tpu.memory_space<vmem_shared>>
      tpu.enqueue_dma source(%dma_start3A_41 : memref<128x128xf32, #tpu.memory_space<vmem_shared>>) target(%arg8 : memref<128x128xf32, #tpu.memory_space<vmem>>) target_semaphore(%run_scoped3A : memref<!tpu.dma_semaphore, #tpu.memory_space<semaphore_mem>>)
      %dma_wait3A = arith.constant 0 : i32
      %dma_wait3A_42 = tpu.memref_slice %arg6[%add3A_32, %dma_wait3A] : memref<10240x128xf32, #tpu.memory_space<vmem_shared>> -> memref<128x128xf32, #tpu.memory_space<vmem_shared>>
      %dma_wait3A_43 = arith.constant 0 : i32
      %dma_wait3A_44 = tpu.memref_slice %arg6[%add3A_32, %dma_wait3A_43] : memref<10240x128xf32, #tpu.memory_space<vmem_shared>> -> memref<128x128xf32, #tpu.memory_space<vmem_shared>>
      tpu.wait_dma2 semaphore(%run_scoped3A : memref<!tpu.dma_semaphore, #tpu.memory_space<semaphore_mem>>) src(%dma_wait3A_44 : memref<128x128xf32, #tpu.memory_space<vmem_shared>>) dst(%arg8 : memref<128x128xf32, #tpu.memory_space<vmem>>)
      tpu.yield
    }) : () -> ()
    %add3A_33 = arith.constant 384 : i32
    %add3A_34 = arith.addi %mul3A_2, %add3A_33 : i32
    "tpu.region"() ({
      %run_scoped3A = tpu.sem_alloc : memref<!tpu.dma_semaphore, #tpu.memory_space<semaphore_mem>>
      %dma_start3A = arith.constant 0 : i32
      %dma_start3A_39 = arith.constant 0 : i32
      %dma_start3A_40 = tpu.memref_slice %arg5[%arg0, %dma_start3A, %dma_start3A_39] : memref<2x10240x128xf32, #tpu.memory_space<hbm>> -> memref<1x10240x128xf32, #tpu.memory_space<hbm>>
      %dma_start3A_41 = tpu.memref_squeeze %dma_start3A_40 : memref<1x10240x128xf32, #tpu.memory_space<hbm>> -> memref<10240x128xf32, #tpu.memory_space<hbm>>
      %dma_start3A_42 = arith.constant 0 : i32
      %dma_start3A_43 = tpu.memref_slice %dma_start3A_41[%add3A_34, %dma_start3A_42] : memref<10240x128xf32, #tpu.memory_space<hbm>> -> memref<128x128xf32, #tpu.memory_space<hbm>>
      %dma_start3A_44 = arith.constant 0 : i32
      %dma_start3A_45 = arith.constant 0 : i32
      %dma_start3A_46 = tpu.memref_slice %arg5[%arg0, %dma_start3A_44, %dma_start3A_45] : memref<2x10240x128xf32, #tpu.memory_space<hbm>> -> memref<1x10240x128xf32, #tpu.memory_space<hbm>>
      %dma_start3A_47 = tpu.memref_squeeze %dma_start3A_46 : memref<1x10240x128xf32, #tpu.memory_space<hbm>> -> memref<10240x128xf32, #tpu.memory_space<hbm>>
      %dma_start3A_48 = arith.constant 0 : i32
      %dma_start3A_49 = tpu.memref_slice %dma_start3A_47[%add3A_34, %dma_start3A_48] : memref<10240x128xf32, #tpu.memory_space<hbm>> -> memref<128x128xf32, #tpu.memory_space<hbm>>
      tpu.enqueue_dma source(%arg8 : memref<128x128xf32, #tpu.memory_space<vmem>>) target(%dma_start3A_49 : memref<128x128xf32, #tpu.memory_space<hbm>>) target_semaphore(%run_scoped3A : memref<!tpu.dma_semaphore, #tpu.memory_space<semaphore_mem>>)
      %dma_wait3A = arith.constant 0 : i32
      %dma_wait3A_50 = arith.constant 0 : i32
      %dma_wait3A_51 = tpu.memref_slice %arg5[%arg0, %dma_wait3A, %dma_wait3A_50] : memref<2x10240x128xf32, #tpu.memory_space<hbm>> -> memref<1x10240x128xf32, #tpu.memory_space<hbm>>
      %dma_wait3A_52 = tpu.memref_squeeze %dma_wait3A_51 : memref<1x10240x128xf32, #tpu.memory_space<hbm>> -> memref<10240x128xf32, #tpu.memory_space<hbm>>
      %dma_wait3A_53 = arith.constant 0 : i32
      %dma_wait3A_54 = tpu.memref_slice %dma_wait3A_52[%add3A_34, %dma_wait3A_53] : memref<10240x128xf32, #tpu.memory_space<hbm>> -> memref<128x128xf32, #tpu.memory_space<hbm>>
      %dma_wait3A_55 = arith.constant 0 : i32
      %dma_wait3A_56 = arith.constant 0 : i32
      %dma_wait3A_57 = tpu.memref_slice %arg5[%arg0, %dma_wait3A_55, %dma_wait3A_56] : memref<2x10240x128xf32, #tpu.memory_space<hbm>> -> memref<1x10240x128xf32, #tpu.memory_space<hbm>>
      %dma_wait3A_58 = tpu.memref_squeeze %dma_wait3A_57 : memref<1x10240x128xf32, #tpu.memory_space<hbm>> -> memref<10240x128xf32, #tpu.memory_space<hbm>>
      %dma_wait3A_59 = arith.constant 0 : i32
      %dma_wait3A_60 = tpu.memref_slice %dma_wait3A_58[%add3A_34, %dma_wait3A_59] : memref<10240x128xf32, #tpu.memory_space<hbm>> -> memref<128x128xf32, #tpu.memory_space<hbm>>
      tpu.wait_dma2 semaphore(%run_scoped3A : memref<!tpu.dma_semaphore, #tpu.memory_space<semaphore_mem>>) src(%arg8 : memref<128x128xf32, #tpu.memory_space<vmem>>) dst(%dma_wait3A_60 : memref<128x128xf32, #tpu.memory_space<hbm>>)
      tpu.yield
    }) : () -> ()
    %add3A_35 = arith.constant 512 : i32
    %add3A_36 = arith.addi %mul3A_2, %add3A_35 : i32
    "tpu.region"() ({
      %run_scoped3A = tpu.sem_alloc : memref<!tpu.dma_semaphore, #tpu.memory_space<semaphore_mem>>
      %dma_start3A = arith.constant 0 : i32
      %dma_start3A_39 = tpu.memref_slice %arg6[%add3A_36, %dma_start3A] : memref<10240x128xf32, #tpu.memory_space<vmem_shared>> -> memref<128x128xf32, #tpu.memory_space<vmem_shared>>
      %dma_start3A_40 = arith.constant 0 : i32
      %dma_start3A_41 = tpu.memref_slice %arg6[%add3A_36, %dma_start3A_40] : memref<10240x128xf32, #tpu.memory_space<vmem_shared>> -> memref<128x128xf32, #tpu.memory_space<vmem_shared>>
      tpu.enqueue_dma source(%dma_start3A_41 : memref<128x128xf32, #tpu.memory_space<vmem_shared>>) target(%arg8 : memref<128x128xf32, #tpu.memory_space<vmem>>) target_semaphore(%run_scoped3A : memref<!tpu.dma_semaphore, #tpu.memory_space<semaphore_mem>>)
      %dma_wait3A = arith.constant 0 : i32
      %dma_wait3A_42 = tpu.memref_slice %arg6[%add3A_36, %dma_wait3A] : memref<10240x128xf32, #tpu.memory_space<vmem_shared>> -> memref<128x128xf32, #tpu.memory_space<vmem_shared>>
      %dma_wait3A_43 = arith.constant 0 : i32
      %dma_wait3A_44 = tpu.memref_slice %arg6[%add3A_36, %dma_wait3A_43] : memref<10240x128xf32, #tpu.memory_space<vmem_shared>> -> memref<128x128xf32, #tpu.memory_space<vmem_shared>>
      tpu.wait_dma2 semaphore(%run_scoped3A : memref<!tpu.dma_semaphore, #tpu.memory_space<semaphore_mem>>) src(%dma_wait3A_44 : memref<128x128xf32, #tpu.memory_space<vmem_shared>>) dst(%arg8 : memref<128x128xf32, #tpu.memory_space<vmem>>)
      tpu.yield
    }) : () -> ()
    %add3A_37 = arith.constant 512 : i32
    %add3A_38 = arith.addi %mul3A_2, %add3A_37 : i32
    "tpu.region"() ({
      %run_scoped3A = tpu.sem_alloc : memref<!tpu.dma_semaphore, #tpu.memory_space<semaphore_mem>>
      %dma_start3A = arith.constant 0 : i32
      %dma_start3A_39 = arith.constant 0 : i32
      %dma_start3A_40 = tpu.memref_slice %arg5[%arg0, %dma_start3A, %dma_start3A_39] : memref<2x10240x128xf32, #tpu.memory_space<hbm>> -> memref<1x10240x128xf32, #tpu.memory_space<hbm>>
      %dma_start3A_41 = tpu.memref_squeeze %dma_start3A_40 : memref<1x10240x128xf32, #tpu.memory_space<hbm>> -> memref<10240x128xf32, #tpu.memory_space<hbm>>
      %dma_start3A_42 = arith.constant 0 : i32
      %dma_start3A_43 = tpu.memref_slice %dma_start3A_41[%add3A_38, %dma_start3A_42] : memref<10240x128xf32, #tpu.memory_space<hbm>> -> memref<128x128xf32, #tpu.memory_space<hbm>>
      %dma_start3A_44 = arith.constant 0 : i32
      %dma_start3A_45 = arith.constant 0 : i32
      %dma_start3A_46 = tpu.memref_slice %arg5[%arg0, %dma_start3A_44, %dma_start3A_45] : memref<2x10240x128xf32, #tpu.memory_space<hbm>> -> memref<1x10240x128xf32, #tpu.memory_space<hbm>>
      %dma_start3A_47 = tpu.memref_squeeze %dma_start3A_46 : memref<1x10240x128xf32, #tpu.memory_space<hbm>> -> memref<10240x128xf32, #tpu.memory_space<hbm>>
      %dma_start3A_48 = arith.constant 0 : i32
      %dma_start3A_49 = tpu.memref_slice %dma_start3A_47[%add3A_38, %dma_start3A_48] : memref<10240x128xf32, #tpu.memory_space<hbm>> -> memref<128x128xf32, #tpu.memory_space<hbm>>
      tpu.enqueue_dma source(%arg8 : memref<128x128xf32, #tpu.memory_space<vmem>>) target(%dma_start3A_49 : memref<128x128xf32, #tpu.memory_space<hbm>>) target_semaphore(%run_scoped3A : memref<!tpu.dma_semaphore, #tpu.memory_space<semaphore_mem>>)
      %dma_wait3A = arith.constant 0 : i32
      %dma_wait3A_50 = arith.constant 0 : i32
      %dma_wait3A_51 = tpu.memref_slice %arg5[%arg0, %dma_wait3A, %dma_wait3A_50] : memref<2x10240x128xf32, #tpu.memory_space<hbm>> -> memref<1x10240x128xf32, #tpu.memory_space<hbm>>
      %dma_wait3A_52 = tpu.memref_squeeze %dma_wait3A_51 : memref<1x10240x128xf32, #tpu.memory_space<hbm>> -> memref<10240x128xf32, #tpu.memory_space<hbm>>
      %dma_wait3A_53 = arith.constant 0 : i32
      %dma_wait3A_54 = tpu.memref_slice %dma_wait3A_52[%add3A_38, %dma_wait3A_53] : memref<10240x128xf32, #tpu.memory_space<hbm>> -> memref<128x128xf32, #tpu.memory_space<hbm>>
      %dma_wait3A_55 = arith.constant 0 : i32
      %dma_wait3A_56 = arith.constant 0 : i32
      %dma_wait3A_57 = tpu.memref_slice %arg5[%arg0, %dma_wait3A_55, %dma_wait3A_56] : memref<2x10240x128xf32, #tpu.memory_space<hbm>> -> memref<1x10240x128xf32, #tpu.memory_space<hbm>>
      %dma_wait3A_58 = tpu.memref_squeeze %dma_wait3A_57 : memref<1x10240x128xf32, #tpu.memory_space<hbm>> -> memref<10240x128xf32, #tpu.memory_space<hbm>>
      %dma_wait3A_59 = arith.constant 0 : i32
      %dma_wait3A_60 = tpu.memref_slice %dma_wait3A_58[%add3A_38, %dma_wait3A_59] : memref<10240x128xf32, #tpu.memory_space<hbm>> -> memref<128x128xf32, #tpu.memory_space<hbm>>
      tpu.wait_dma2 semaphore(%run_scoped3A : memref<!tpu.dma_semaphore, #tpu.memory_space<semaphore_mem>>) src(%arg8 : memref<128x128xf32, #tpu.memory_space<vmem>>) dst(%dma_wait3A_60 : memref<128x128xf32, #tpu.memory_space<hbm>>)
      tpu.yield
    }) : () -> ()
    return
  }
}

#map = affine_map<(d0, d1) -> (0, 0)>
#map1 = affine_map<(d0, d1) -> (0, 0, 0)>
module attributes {stable_mosaic.version = 14 : i64} {
  func.func @mp_kernel(%arg0: i32, %arg1: i32, %arg2: memref<10240x128xf32, #tpu.memory_space<hbm>>, %arg3: memref<32x79x128xi32, #tpu.memory_space<hbm>>, %arg4: memref<32x79x128xi32, #tpu.memory_space<hbm>>, %arg5: memref<2x10240x128xf32, #tpu.memory_space<hbm>>, %arg6: memref<10240x128xf32, #tpu.memory_space<vmem_shared>>, %arg7: memref<79x128xi32, #tpu.memory_space<vmem>>, %arg8: memref<79x128xi32, #tpu.memory_space<vmem>>, %arg9: memref<128x128xf32, #tpu.memory_space<vmem>>, %arg10: memref<!tpu.dma_semaphore, #tpu.memory_space<semaphore_mem>>) attributes {dimension_semantics = [#tpu.dimension_semantics<core_parallel>, #tpu.dimension_semantics<subcore_parallel>], iteration_bounds = array<i64: 2, 16>, scalar_prefetch = 0 : i64, scratch_operands = 5 : i64, tpu.core_type = #tpu.core_type<sc_vector_subcore>, window_params = [{transform_indices = #map}, {transform_indices = #map1}, {transform_indices = #map1}, {transform_indices = #map1}]} {
    %mul3A = arith.constant 16 : i32
    %mul3A_0 = arith.muli %arg0, %mul3A : i32
    %add3A = arith.addi %mul3A_0, %arg1 : i32
    %mul3A_1 = arith.constant 640 : i32
    %mul3A_2 = arith.muli %arg1, %mul3A_1 : i32
    "tpu.region"() ({
      %run_scoped3A = tpu.sem_alloc : memref<!tpu.dma_semaphore, #tpu.memory_space<semaphore_mem>>
      %dma_start3A = arith.constant 0 : i32
      %dma_start3A_49 = arith.constant 0 : i32
      %dma_start3A_50 = tpu.memref_slice %arg3[%add3A, %dma_start3A, %dma_start3A_49] : memref<32x79x128xi32, #tpu.memory_space<hbm>> -> memref<1x79x128xi32, #tpu.memory_space<hbm>>
      %dma_start3A_51 = tpu.memref_squeeze %dma_start3A_50 : memref<1x79x128xi32, #tpu.memory_space<hbm>> -> memref<79x128xi32, #tpu.memory_space<hbm>>
      %dma_start3A_52 = arith.constant 0 : i32
      %dma_start3A_53 = arith.constant 0 : i32
      %dma_start3A_54 = tpu.memref_slice %arg3[%add3A, %dma_start3A_52, %dma_start3A_53] : memref<32x79x128xi32, #tpu.memory_space<hbm>> -> memref<1x79x128xi32, #tpu.memory_space<hbm>>
      %dma_start3A_55 = tpu.memref_squeeze %dma_start3A_54 : memref<1x79x128xi32, #tpu.memory_space<hbm>> -> memref<79x128xi32, #tpu.memory_space<hbm>>
      tpu.enqueue_dma source(%dma_start3A_55 : memref<79x128xi32, #tpu.memory_space<hbm>>) target(%arg7 : memref<79x128xi32, #tpu.memory_space<vmem>>) target_semaphore(%run_scoped3A : memref<!tpu.dma_semaphore, #tpu.memory_space<semaphore_mem>>)
      %dma_wait3A = arith.constant 0 : i32
      %dma_wait3A_56 = arith.constant 0 : i32
      %dma_wait3A_57 = tpu.memref_slice %arg3[%add3A, %dma_wait3A, %dma_wait3A_56] : memref<32x79x128xi32, #tpu.memory_space<hbm>> -> memref<1x79x128xi32, #tpu.memory_space<hbm>>
      %dma_wait3A_58 = tpu.memref_squeeze %dma_wait3A_57 : memref<1x79x128xi32, #tpu.memory_space<hbm>> -> memref<79x128xi32, #tpu.memory_space<hbm>>
      %dma_wait3A_59 = arith.constant 0 : i32
      %dma_wait3A_60 = arith.constant 0 : i32
      %dma_wait3A_61 = tpu.memref_slice %arg3[%add3A, %dma_wait3A_59, %dma_wait3A_60] : memref<32x79x128xi32, #tpu.memory_space<hbm>> -> memref<1x79x128xi32, #tpu.memory_space<hbm>>
      %dma_wait3A_62 = tpu.memref_squeeze %dma_wait3A_61 : memref<1x79x128xi32, #tpu.memory_space<hbm>> -> memref<79x128xi32, #tpu.memory_space<hbm>>
      tpu.wait_dma2 semaphore(%run_scoped3A : memref<!tpu.dma_semaphore, #tpu.memory_space<semaphore_mem>>) src(%dma_wait3A_62 : memref<79x128xi32, #tpu.memory_space<hbm>>) dst(%arg7 : memref<79x128xi32, #tpu.memory_space<vmem>>)
      tpu.yield
    }) : () -> ()
    "tpu.region"() ({
      %run_scoped3A = tpu.sem_alloc : memref<!tpu.dma_semaphore, #tpu.memory_space<semaphore_mem>>
      %dma_start3A = arith.constant 0 : i32
      %dma_start3A_49 = arith.constant 0 : i32
      %dma_start3A_50 = tpu.memref_slice %arg4[%add3A, %dma_start3A, %dma_start3A_49] : memref<32x79x128xi32, #tpu.memory_space<hbm>> -> memref<1x79x128xi32, #tpu.memory_space<hbm>>
      %dma_start3A_51 = tpu.memref_squeeze %dma_start3A_50 : memref<1x79x128xi32, #tpu.memory_space<hbm>> -> memref<79x128xi32, #tpu.memory_space<hbm>>
      %dma_start3A_52 = arith.constant 0 : i32
      %dma_start3A_53 = arith.constant 0 : i32
      %dma_start3A_54 = tpu.memref_slice %arg4[%add3A, %dma_start3A_52, %dma_start3A_53] : memref<32x79x128xi32, #tpu.memory_space<hbm>> -> memref<1x79x128xi32, #tpu.memory_space<hbm>>
      %dma_start3A_55 = tpu.memref_squeeze %dma_start3A_54 : memref<1x79x128xi32, #tpu.memory_space<hbm>> -> memref<79x128xi32, #tpu.memory_space<hbm>>
      tpu.enqueue_dma source(%dma_start3A_55 : memref<79x128xi32, #tpu.memory_space<hbm>>) target(%arg8 : memref<79x128xi32, #tpu.memory_space<vmem>>) target_semaphore(%run_scoped3A : memref<!tpu.dma_semaphore, #tpu.memory_space<semaphore_mem>>)
      %dma_wait3A = arith.constant 0 : i32
      %dma_wait3A_56 = arith.constant 0 : i32
      %dma_wait3A_57 = tpu.memref_slice %arg4[%add3A, %dma_wait3A, %dma_wait3A_56] : memref<32x79x128xi32, #tpu.memory_space<hbm>> -> memref<1x79x128xi32, #tpu.memory_space<hbm>>
      %dma_wait3A_58 = tpu.memref_squeeze %dma_wait3A_57 : memref<1x79x128xi32, #tpu.memory_space<hbm>> -> memref<79x128xi32, #tpu.memory_space<hbm>>
      %dma_wait3A_59 = arith.constant 0 : i32
      %dma_wait3A_60 = arith.constant 0 : i32
      %dma_wait3A_61 = tpu.memref_slice %arg4[%add3A, %dma_wait3A_59, %dma_wait3A_60] : memref<32x79x128xi32, #tpu.memory_space<hbm>> -> memref<1x79x128xi32, #tpu.memory_space<hbm>>
      %dma_wait3A_62 = tpu.memref_squeeze %dma_wait3A_61 : memref<1x79x128xi32, #tpu.memory_space<hbm>> -> memref<79x128xi32, #tpu.memory_space<hbm>>
      tpu.wait_dma2 semaphore(%run_scoped3A : memref<!tpu.dma_semaphore, #tpu.memory_space<semaphore_mem>>) src(%dma_wait3A_62 : memref<79x128xi32, #tpu.memory_space<hbm>>) dst(%arg8 : memref<79x128xi32, #tpu.memory_space<vmem>>)
      tpu.yield
    }) : () -> ()
    %add3A_3 = arith.constant 0 : i32
    %add3A_4 = arith.addi %mul3A_2, %add3A_3 : i32
    "tpu.region"() ({
      %run_scoped3A = tpu.sem_alloc : memref<!tpu.dma_semaphore, #tpu.memory_space<semaphore_mem>>
      %dma_start3A = arith.constant 0 : i32
      %dma_start3A_49 = tpu.memref_slice %arg2[%add3A_4, %dma_start3A] : memref<10240x128xf32, #tpu.memory_space<hbm>> -> memref<128x128xf32, #tpu.memory_space<hbm>>
      %dma_start3A_50 = arith.constant 0 : i32
      %dma_start3A_51 = tpu.memref_slice %arg2[%add3A_4, %dma_start3A_50] : memref<10240x128xf32, #tpu.memory_space<hbm>> -> memref<128x128xf32, #tpu.memory_space<hbm>>
      tpu.enqueue_dma source(%dma_start3A_51 : memref<128x128xf32, #tpu.memory_space<hbm>>) target(%arg9 : memref<128x128xf32, #tpu.memory_space<vmem>>) target_semaphore(%run_scoped3A : memref<!tpu.dma_semaphore, #tpu.memory_space<semaphore_mem>>)
      %dma_wait3A = arith.constant 0 : i32
      %dma_wait3A_52 = tpu.memref_slice %arg2[%add3A_4, %dma_wait3A] : memref<10240x128xf32, #tpu.memory_space<hbm>> -> memref<128x128xf32, #tpu.memory_space<hbm>>
      %dma_wait3A_53 = arith.constant 0 : i32
      %dma_wait3A_54 = tpu.memref_slice %arg2[%add3A_4, %dma_wait3A_53] : memref<10240x128xf32, #tpu.memory_space<hbm>> -> memref<128x128xf32, #tpu.memory_space<hbm>>
      tpu.wait_dma2 semaphore(%run_scoped3A : memref<!tpu.dma_semaphore, #tpu.memory_space<semaphore_mem>>) src(%dma_wait3A_54 : memref<128x128xf32, #tpu.memory_space<hbm>>) dst(%arg9 : memref<128x128xf32, #tpu.memory_space<vmem>>)
      tpu.yield
    }) : () -> ()
    %add3A_5 = arith.constant 0 : i32
    %add3A_6 = arith.addi %mul3A_2, %add3A_5 : i32
    "tpu.region"() ({
      %run_scoped3A = tpu.sem_alloc : memref<!tpu.dma_semaphore, #tpu.memory_space<semaphore_mem>>
      %dma_start3A = arith.constant 0 : i32
      %dma_start3A_49 = tpu.memref_slice %arg6[%add3A_6, %dma_start3A] : memref<10240x128xf32, #tpu.memory_space<vmem_shared>> -> memref<128x128xf32, #tpu.memory_space<vmem_shared>>
      %dma_start3A_50 = arith.constant 0 : i32
      %dma_start3A_51 = tpu.memref_slice %arg6[%add3A_6, %dma_start3A_50] : memref<10240x128xf32, #tpu.memory_space<vmem_shared>> -> memref<128x128xf32, #tpu.memory_space<vmem_shared>>
      tpu.enqueue_dma source(%arg9 : memref<128x128xf32, #tpu.memory_space<vmem>>) target(%dma_start3A_51 : memref<128x128xf32, #tpu.memory_space<vmem_shared>>) target_semaphore(%run_scoped3A : memref<!tpu.dma_semaphore, #tpu.memory_space<semaphore_mem>>)
      %dma_wait3A = arith.constant 0 : i32
      %dma_wait3A_52 = tpu.memref_slice %arg6[%add3A_6, %dma_wait3A] : memref<10240x128xf32, #tpu.memory_space<vmem_shared>> -> memref<128x128xf32, #tpu.memory_space<vmem_shared>>
      %dma_wait3A_53 = arith.constant 0 : i32
      %dma_wait3A_54 = tpu.memref_slice %arg6[%add3A_6, %dma_wait3A_53] : memref<10240x128xf32, #tpu.memory_space<vmem_shared>> -> memref<128x128xf32, #tpu.memory_space<vmem_shared>>
      tpu.wait_dma2 semaphore(%run_scoped3A : memref<!tpu.dma_semaphore, #tpu.memory_space<semaphore_mem>>) src(%arg9 : memref<128x128xf32, #tpu.memory_space<vmem>>) dst(%dma_wait3A_54 : memref<128x128xf32, #tpu.memory_space<vmem_shared>>)
      tpu.yield
    }) : () -> ()
    %add3A_7 = arith.constant 128 : i32
    %add3A_8 = arith.addi %mul3A_2, %add3A_7 : i32
    "tpu.region"() ({
      %run_scoped3A = tpu.sem_alloc : memref<!tpu.dma_semaphore, #tpu.memory_space<semaphore_mem>>
      %dma_start3A = arith.constant 0 : i32
      %dma_start3A_49 = tpu.memref_slice %arg2[%add3A_8, %dma_start3A] : memref<10240x128xf32, #tpu.memory_space<hbm>> -> memref<128x128xf32, #tpu.memory_space<hbm>>
      %dma_start3A_50 = arith.constant 0 : i32
      %dma_start3A_51 = tpu.memref_slice %arg2[%add3A_8, %dma_start3A_50] : memref<10240x128xf32, #tpu.memory_space<hbm>> -> memref<128x128xf32, #tpu.memory_space<hbm>>
      tpu.enqueue_dma source(%dma_start3A_51 : memref<128x128xf32, #tpu.memory_space<hbm>>) target(%arg9 : memref<128x128xf32, #tpu.memory_space<vmem>>) target_semaphore(%run_scoped3A : memref<!tpu.dma_semaphore, #tpu.memory_space<semaphore_mem>>)
      %dma_wait3A = arith.constant 0 : i32
      %dma_wait3A_52 = tpu.memref_slice %arg2[%add3A_8, %dma_wait3A] : memref<10240x128xf32, #tpu.memory_space<hbm>> -> memref<128x128xf32, #tpu.memory_space<hbm>>
      %dma_wait3A_53 = arith.constant 0 : i32
      %dma_wait3A_54 = tpu.memref_slice %arg2[%add3A_8, %dma_wait3A_53] : memref<10240x128xf32, #tpu.memory_space<hbm>> -> memref<128x128xf32, #tpu.memory_space<hbm>>
      tpu.wait_dma2 semaphore(%run_scoped3A : memref<!tpu.dma_semaphore, #tpu.memory_space<semaphore_mem>>) src(%dma_wait3A_54 : memref<128x128xf32, #tpu.memory_space<hbm>>) dst(%arg9 : memref<128x128xf32, #tpu.memory_space<vmem>>)
      tpu.yield
    }) : () -> ()
    %add3A_9 = arith.constant 128 : i32
    %add3A_10 = arith.addi %mul3A_2, %add3A_9 : i32
    "tpu.region"() ({
      %run_scoped3A = tpu.sem_alloc : memref<!tpu.dma_semaphore, #tpu.memory_space<semaphore_mem>>
      %dma_start3A = arith.constant 0 : i32
      %dma_start3A_49 = tpu.memref_slice %arg6[%add3A_10, %dma_start3A] : memref<10240x128xf32, #tpu.memory_space<vmem_shared>> -> memref<128x128xf32, #tpu.memory_space<vmem_shared>>
      %dma_start3A_50 = arith.constant 0 : i32
      %dma_start3A_51 = tpu.memref_slice %arg6[%add3A_10, %dma_start3A_50] : memref<10240x128xf32, #tpu.memory_space<vmem_shared>> -> memref<128x128xf32, #tpu.memory_space<vmem_shared>>
      tpu.enqueue_dma source(%arg9 : memref<128x128xf32, #tpu.memory_space<vmem>>) target(%dma_start3A_51 : memref<128x128xf32, #tpu.memory_space<vmem_shared>>) target_semaphore(%run_scoped3A : memref<!tpu.dma_semaphore, #tpu.memory_space<semaphore_mem>>)
      %dma_wait3A = arith.constant 0 : i32
      %dma_wait3A_52 = tpu.memref_slice %arg6[%add3A_10, %dma_wait3A] : memref<10240x128xf32, #tpu.memory_space<vmem_shared>> -> memref<128x128xf32, #tpu.memory_space<vmem_shared>>
      %dma_wait3A_53 = arith.constant 0 : i32
      %dma_wait3A_54 = tpu.memref_slice %arg6[%add3A_10, %dma_wait3A_53] : memref<10240x128xf32, #tpu.memory_space<vmem_shared>> -> memref<128x128xf32, #tpu.memory_space<vmem_shared>>
      tpu.wait_dma2 semaphore(%run_scoped3A : memref<!tpu.dma_semaphore, #tpu.memory_space<semaphore_mem>>) src(%arg9 : memref<128x128xf32, #tpu.memory_space<vmem>>) dst(%dma_wait3A_54 : memref<128x128xf32, #tpu.memory_space<vmem_shared>>)
      tpu.yield
    }) : () -> ()
    %add3A_11 = arith.constant 256 : i32
    %add3A_12 = arith.addi %mul3A_2, %add3A_11 : i32
    "tpu.region"() ({
      %run_scoped3A = tpu.sem_alloc : memref<!tpu.dma_semaphore, #tpu.memory_space<semaphore_mem>>
      %dma_start3A = arith.constant 0 : i32
      %dma_start3A_49 = tpu.memref_slice %arg2[%add3A_12, %dma_start3A] : memref<10240x128xf32, #tpu.memory_space<hbm>> -> memref<128x128xf32, #tpu.memory_space<hbm>>
      %dma_start3A_50 = arith.constant 0 : i32
      %dma_start3A_51 = tpu.memref_slice %arg2[%add3A_12, %dma_start3A_50] : memref<10240x128xf32, #tpu.memory_space<hbm>> -> memref<128x128xf32, #tpu.memory_space<hbm>>
      tpu.enqueue_dma source(%dma_start3A_51 : memref<128x128xf32, #tpu.memory_space<hbm>>) target(%arg9 : memref<128x128xf32, #tpu.memory_space<vmem>>) target_semaphore(%run_scoped3A : memref<!tpu.dma_semaphore, #tpu.memory_space<semaphore_mem>>)
      %dma_wait3A = arith.constant 0 : i32
      %dma_wait3A_52 = tpu.memref_slice %arg2[%add3A_12, %dma_wait3A] : memref<10240x128xf32, #tpu.memory_space<hbm>> -> memref<128x128xf32, #tpu.memory_space<hbm>>
      %dma_wait3A_53 = arith.constant 0 : i32
      %dma_wait3A_54 = tpu.memref_slice %arg2[%add3A_12, %dma_wait3A_53] : memref<10240x128xf32, #tpu.memory_space<hbm>> -> memref<128x128xf32, #tpu.memory_space<hbm>>
      tpu.wait_dma2 semaphore(%run_scoped3A : memref<!tpu.dma_semaphore, #tpu.memory_space<semaphore_mem>>) src(%dma_wait3A_54 : memref<128x128xf32, #tpu.memory_space<hbm>>) dst(%arg9 : memref<128x128xf32, #tpu.memory_space<vmem>>)
      tpu.yield
    }) : () -> ()
    %add3A_13 = arith.constant 256 : i32
    %add3A_14 = arith.addi %mul3A_2, %add3A_13 : i32
    "tpu.region"() ({
      %run_scoped3A = tpu.sem_alloc : memref<!tpu.dma_semaphore, #tpu.memory_space<semaphore_mem>>
      %dma_start3A = arith.constant 0 : i32
      %dma_start3A_49 = tpu.memref_slice %arg6[%add3A_14, %dma_start3A] : memref<10240x128xf32, #tpu.memory_space<vmem_shared>> -> memref<128x128xf32, #tpu.memory_space<vmem_shared>>
      %dma_start3A_50 = arith.constant 0 : i32
      %dma_start3A_51 = tpu.memref_slice %arg6[%add3A_14, %dma_start3A_50] : memref<10240x128xf32, #tpu.memory_space<vmem_shared>> -> memref<128x128xf32, #tpu.memory_space<vmem_shared>>
      tpu.enqueue_dma source(%arg9 : memref<128x128xf32, #tpu.memory_space<vmem>>) target(%dma_start3A_51 : memref<128x128xf32, #tpu.memory_space<vmem_shared>>) target_semaphore(%run_scoped3A : memref<!tpu.dma_semaphore, #tpu.memory_space<semaphore_mem>>)
      %dma_wait3A = arith.constant 0 : i32
      %dma_wait3A_52 = tpu.memref_slice %arg6[%add3A_14, %dma_wait3A] : memref<10240x128xf32, #tpu.memory_space<vmem_shared>> -> memref<128x128xf32, #tpu.memory_space<vmem_shared>>
      %dma_wait3A_53 = arith.constant 0 : i32
      %dma_wait3A_54 = tpu.memref_slice %arg6[%add3A_14, %dma_wait3A_53] : memref<10240x128xf32, #tpu.memory_space<vmem_shared>> -> memref<128x128xf32, #tpu.memory_space<vmem_shared>>
      tpu.wait_dma2 semaphore(%run_scoped3A : memref<!tpu.dma_semaphore, #tpu.memory_space<semaphore_mem>>) src(%arg9 : memref<128x128xf32, #tpu.memory_space<vmem>>) dst(%dma_wait3A_54 : memref<128x128xf32, #tpu.memory_space<vmem_shared>>)
      tpu.yield
    }) : () -> ()
    %add3A_15 = arith.constant 384 : i32
    %add3A_16 = arith.addi %mul3A_2, %add3A_15 : i32
    "tpu.region"() ({
      %run_scoped3A = tpu.sem_alloc : memref<!tpu.dma_semaphore, #tpu.memory_space<semaphore_mem>>
      %dma_start3A = arith.constant 0 : i32
      %dma_start3A_49 = tpu.memref_slice %arg2[%add3A_16, %dma_start3A] : memref<10240x128xf32, #tpu.memory_space<hbm>> -> memref<128x128xf32, #tpu.memory_space<hbm>>
      %dma_start3A_50 = arith.constant 0 : i32
      %dma_start3A_51 = tpu.memref_slice %arg2[%add3A_16, %dma_start3A_50] : memref<10240x128xf32, #tpu.memory_space<hbm>> -> memref<128x128xf32, #tpu.memory_space<hbm>>
      tpu.enqueue_dma source(%dma_start3A_51 : memref<128x128xf32, #tpu.memory_space<hbm>>) target(%arg9 : memref<128x128xf32, #tpu.memory_space<vmem>>) target_semaphore(%run_scoped3A : memref<!tpu.dma_semaphore, #tpu.memory_space<semaphore_mem>>)
      %dma_wait3A = arith.constant 0 : i32
      %dma_wait3A_52 = tpu.memref_slice %arg2[%add3A_16, %dma_wait3A] : memref<10240x128xf32, #tpu.memory_space<hbm>> -> memref<128x128xf32, #tpu.memory_space<hbm>>
      %dma_wait3A_53 = arith.constant 0 : i32
      %dma_wait3A_54 = tpu.memref_slice %arg2[%add3A_16, %dma_wait3A_53] : memref<10240x128xf32, #tpu.memory_space<hbm>> -> memref<128x128xf32, #tpu.memory_space<hbm>>
      tpu.wait_dma2 semaphore(%run_scoped3A : memref<!tpu.dma_semaphore, #tpu.memory_space<semaphore_mem>>) src(%dma_wait3A_54 : memref<128x128xf32, #tpu.memory_space<hbm>>) dst(%arg9 : memref<128x128xf32, #tpu.memory_space<vmem>>)
      tpu.yield
    }) : () -> ()
    %add3A_17 = arith.constant 384 : i32
    %add3A_18 = arith.addi %mul3A_2, %add3A_17 : i32
    "tpu.region"() ({
      %run_scoped3A = tpu.sem_alloc : memref<!tpu.dma_semaphore, #tpu.memory_space<semaphore_mem>>
      %dma_start3A = arith.constant 0 : i32
      %dma_start3A_49 = tpu.memref_slice %arg6[%add3A_18, %dma_start3A] : memref<10240x128xf32, #tpu.memory_space<vmem_shared>> -> memref<128x128xf32, #tpu.memory_space<vmem_shared>>
      %dma_start3A_50 = arith.constant 0 : i32
      %dma_start3A_51 = tpu.memref_slice %arg6[%add3A_18, %dma_start3A_50] : memref<10240x128xf32, #tpu.memory_space<vmem_shared>> -> memref<128x128xf32, #tpu.memory_space<vmem_shared>>
      tpu.enqueue_dma source(%arg9 : memref<128x128xf32, #tpu.memory_space<vmem>>) target(%dma_start3A_51 : memref<128x128xf32, #tpu.memory_space<vmem_shared>>) target_semaphore(%run_scoped3A : memref<!tpu.dma_semaphore, #tpu.memory_space<semaphore_mem>>)
      %dma_wait3A = arith.constant 0 : i32
      %dma_wait3A_52 = tpu.memref_slice %arg6[%add3A_18, %dma_wait3A] : memref<10240x128xf32, #tpu.memory_space<vmem_shared>> -> memref<128x128xf32, #tpu.memory_space<vmem_shared>>
      %dma_wait3A_53 = arith.constant 0 : i32
      %dma_wait3A_54 = tpu.memref_slice %arg6[%add3A_18, %dma_wait3A_53] : memref<10240x128xf32, #tpu.memory_space<vmem_shared>> -> memref<128x128xf32, #tpu.memory_space<vmem_shared>>
      tpu.wait_dma2 semaphore(%run_scoped3A : memref<!tpu.dma_semaphore, #tpu.memory_space<semaphore_mem>>) src(%arg9 : memref<128x128xf32, #tpu.memory_space<vmem>>) dst(%dma_wait3A_54 : memref<128x128xf32, #tpu.memory_space<vmem_shared>>)
      tpu.yield
    }) : () -> ()
    %add3A_19 = arith.constant 512 : i32
    %add3A_20 = arith.addi %mul3A_2, %add3A_19 : i32
    "tpu.region"() ({
      %run_scoped3A = tpu.sem_alloc : memref<!tpu.dma_semaphore, #tpu.memory_space<semaphore_mem>>
      %dma_start3A = arith.constant 0 : i32
      %dma_start3A_49 = tpu.memref_slice %arg2[%add3A_20, %dma_start3A] : memref<10240x128xf32, #tpu.memory_space<hbm>> -> memref<128x128xf32, #tpu.memory_space<hbm>>
      %dma_start3A_50 = arith.constant 0 : i32
      %dma_start3A_51 = tpu.memref_slice %arg2[%add3A_20, %dma_start3A_50] : memref<10240x128xf32, #tpu.memory_space<hbm>> -> memref<128x128xf32, #tpu.memory_space<hbm>>
      tpu.enqueue_dma source(%dma_start3A_51 : memref<128x128xf32, #tpu.memory_space<hbm>>) target(%arg9 : memref<128x128xf32, #tpu.memory_space<vmem>>) target_semaphore(%run_scoped3A : memref<!tpu.dma_semaphore, #tpu.memory_space<semaphore_mem>>)
      %dma_wait3A = arith.constant 0 : i32
      %dma_wait3A_52 = tpu.memref_slice %arg2[%add3A_20, %dma_wait3A] : memref<10240x128xf32, #tpu.memory_space<hbm>> -> memref<128x128xf32, #tpu.memory_space<hbm>>
      %dma_wait3A_53 = arith.constant 0 : i32
      %dma_wait3A_54 = tpu.memref_slice %arg2[%add3A_20, %dma_wait3A_53] : memref<10240x128xf32, #tpu.memory_space<hbm>> -> memref<128x128xf32, #tpu.memory_space<hbm>>
      tpu.wait_dma2 semaphore(%run_scoped3A : memref<!tpu.dma_semaphore, #tpu.memory_space<semaphore_mem>>) src(%dma_wait3A_54 : memref<128x128xf32, #tpu.memory_space<hbm>>) dst(%arg9 : memref<128x128xf32, #tpu.memory_space<vmem>>)
      tpu.yield
    }) : () -> ()
    %add3A_21 = arith.constant 512 : i32
    %add3A_22 = arith.addi %mul3A_2, %add3A_21 : i32
    "tpu.region"() ({
      %run_scoped3A = tpu.sem_alloc : memref<!tpu.dma_semaphore, #tpu.memory_space<semaphore_mem>>
      %dma_start3A = arith.constant 0 : i32
      %dma_start3A_49 = tpu.memref_slice %arg6[%add3A_22, %dma_start3A] : memref<10240x128xf32, #tpu.memory_space<vmem_shared>> -> memref<128x128xf32, #tpu.memory_space<vmem_shared>>
      %dma_start3A_50 = arith.constant 0 : i32
      %dma_start3A_51 = tpu.memref_slice %arg6[%add3A_22, %dma_start3A_50] : memref<10240x128xf32, #tpu.memory_space<vmem_shared>> -> memref<128x128xf32, #tpu.memory_space<vmem_shared>>
      tpu.enqueue_dma source(%arg9 : memref<128x128xf32, #tpu.memory_space<vmem>>) target(%dma_start3A_51 : memref<128x128xf32, #tpu.memory_space<vmem_shared>>) target_semaphore(%run_scoped3A : memref<!tpu.dma_semaphore, #tpu.memory_space<semaphore_mem>>)
      %dma_wait3A = arith.constant 0 : i32
      %dma_wait3A_52 = tpu.memref_slice %arg6[%add3A_22, %dma_wait3A] : memref<10240x128xf32, #tpu.memory_space<vmem_shared>> -> memref<128x128xf32, #tpu.memory_space<vmem_shared>>
      %dma_wait3A_53 = arith.constant 0 : i32
      %dma_wait3A_54 = tpu.memref_slice %arg6[%add3A_22, %dma_wait3A_53] : memref<10240x128xf32, #tpu.memory_space<vmem_shared>> -> memref<128x128xf32, #tpu.memory_space<vmem_shared>>
      tpu.wait_dma2 semaphore(%run_scoped3A : memref<!tpu.dma_semaphore, #tpu.memory_space<semaphore_mem>>) src(%arg9 : memref<128x128xf32, #tpu.memory_space<vmem>>) dst(%dma_wait3A_54 : memref<128x128xf32, #tpu.memory_space<vmem_shared>>)
      tpu.yield
    }) : () -> ()
    %barrier3A = arith.constant 0 : index
    tpu.barrier barrier_id(%barrier3A)
    %scan3A = arith.constant 0 : i32
    %scan3A_23 = arith.constant 0 : i32
    %scan3A_24 = arith.constant 79 : i32
    %scan3A_25 = arith.addi %scan3A_23, %scan3A_24 : i32
    %scan3A_26 = arith.constant 1 : i32
    scf.for %scan3A_49 = %scan3A_23 to %scan3A_25 step %scan3A_26  : i32 {
      %dma_start3A = arith.constant 0 : i32
      %dma_start3A_50 = tpu.memref_slice %arg7[%scan3A_49, %dma_start3A] : memref<79x128xi32, #tpu.memory_space<vmem>> -> memref<1x128xi32, #tpu.memory_space<vmem>>
      %dma_start3A_51 = tpu.memref_squeeze %dma_start3A_50 : memref<1x128xi32, #tpu.memory_space<vmem>> -> memref<128xi32, #tpu.memory_space<vmem>>
      %dma_start3A_52 = arith.constant 0 : i32
      %dma_start3A_53 = arith.constant 0 : i32
      %dma_start3A_54 = tpu.memref_slice %arg2[%dma_start3A_52, %dma_start3A_53] : memref<10240x128xf32, #tpu.memory_space<hbm>> -> memref<10240x128xf32, #tpu.memory_space<hbm>>
      tpu.enqueue_indirect_dma source(%dma_start3A_54 : memref<10240x128xf32, #tpu.memory_space<hbm>>) target(%arg9 : memref<128x128xf32, #tpu.memory_space<vmem>>) offsets(%dma_start3A_51 : memref<128xi32, #tpu.memory_space<vmem>>) semaphore(%arg10 : memref<!tpu.dma_semaphore, #tpu.memory_space<semaphore_mem>>)
      %dma_wait3A = arith.constant 0 : i32
      %dma_wait3A_55 = tpu.memref_slice %arg7[%scan3A_49, %dma_wait3A] : memref<79x128xi32, #tpu.memory_space<vmem>> -> memref<1x128xi32, #tpu.memory_space<vmem>>
      %dma_wait3A_56 = tpu.memref_squeeze %dma_wait3A_55 : memref<1x128xi32, #tpu.memory_space<vmem>> -> memref<128xi32, #tpu.memory_space<vmem>>
      %dma_wait3A_57 = arith.constant 0 : i32
      %dma_wait3A_58 = arith.constant 0 : i32
      %dma_wait3A_59 = tpu.memref_slice %arg2[%dma_wait3A_57, %dma_wait3A_58] : memref<10240x128xf32, #tpu.memory_space<hbm>> -> memref<10240x128xf32, #tpu.memory_space<hbm>>
      tpu.wait_indirect_dma semaphore(%arg10 : memref<!tpu.dma_semaphore, #tpu.memory_space<semaphore_mem>>) src(%dma_wait3A_59 : memref<10240x128xf32, #tpu.memory_space<hbm>>) dst(%arg9 : memref<128x128xf32, #tpu.memory_space<vmem>>)
      "tpu.region"() ({
        %run_scoped3A = tpu.sem_alloc : memref<!tpu.dma_semaphore, #tpu.memory_space<semaphore_mem>>
        %dma_start3A_60 = arith.constant 0 : i32
        %dma_start3A_61 = tpu.memref_slice %arg8[%scan3A_49, %dma_start3A_60] : memref<79x128xi32, #tpu.memory_space<vmem>> -> memref<1x128xi32, #tpu.memory_space<vmem>>
        %dma_start3A_62 = tpu.memref_squeeze %dma_start3A_61 : memref<1x128xi32, #tpu.memory_space<vmem>> -> memref<128xi32, #tpu.memory_space<vmem>>
        %dma_start3A_63 = arith.constant 0 : i32
        %dma_start3A_64 = arith.constant 0 : i32
        %dma_start3A_65 = tpu.memref_slice %arg6[%dma_start3A_63, %dma_start3A_64] : memref<10240x128xf32, #tpu.memory_space<vmem_shared>> -> memref<10240x128xf32, #tpu.memory_space<vmem_shared>>
        tpu.enqueue_indirect_dma source(%arg9 : memref<128x128xf32, #tpu.memory_space<vmem>>) target(%dma_start3A_65 : memref<10240x128xf32, #tpu.memory_space<vmem_shared>>) offsets(%dma_start3A_62 : memref<128xi32, #tpu.memory_space<vmem>>) semaphore(%run_scoped3A : memref<!tpu.dma_semaphore, #tpu.memory_space<semaphore_mem>>) {add = true}
        %dma_wait3A_66 = arith.constant 0 : i32
        %dma_wait3A_67 = tpu.memref_slice %arg8[%scan3A_49, %dma_wait3A_66] : memref<79x128xi32, #tpu.memory_space<vmem>> -> memref<1x128xi32, #tpu.memory_space<vmem>>
        %dma_wait3A_68 = tpu.memref_squeeze %dma_wait3A_67 : memref<1x128xi32, #tpu.memory_space<vmem>> -> memref<128xi32, #tpu.memory_space<vmem>>
        %dma_wait3A_69 = arith.constant 0 : i32
        %dma_wait3A_70 = arith.constant 0 : i32
        %dma_wait3A_71 = tpu.memref_slice %arg6[%dma_wait3A_69, %dma_wait3A_70] : memref<10240x128xf32, #tpu.memory_space<vmem_shared>> -> memref<10240x128xf32, #tpu.memory_space<vmem_shared>>
        tpu.wait_indirect_dma semaphore(%run_scoped3A : memref<!tpu.dma_semaphore, #tpu.memory_space<semaphore_mem>>) src(%arg9 : memref<128x128xf32, #tpu.memory_space<vmem>>) dst(%dma_wait3A_71 : memref<10240x128xf32, #tpu.memory_space<vmem_shared>>)
        tpu.yield
      }) : () -> ()
    }
    %scan3A_27 = arith.constant 79 : i32
    %barrier3A_28 = arith.constant 0 : index
    tpu.barrier barrier_id(%barrier3A_28)
    %add3A_29 = arith.constant 0 : i32
    %add3A_30 = arith.addi %mul3A_2, %add3A_29 : i32
    "tpu.region"() ({
      %run_scoped3A = tpu.sem_alloc : memref<!tpu.dma_semaphore, #tpu.memory_space<semaphore_mem>>
      %dma_start3A = arith.constant 0 : i32
      %dma_start3A_49 = tpu.memref_slice %arg6[%add3A_30, %dma_start3A] : memref<10240x128xf32, #tpu.memory_space<vmem_shared>> -> memref<128x128xf32, #tpu.memory_space<vmem_shared>>
      %dma_start3A_50 = arith.constant 0 : i32
      %dma_start3A_51 = tpu.memref_slice %arg6[%add3A_30, %dma_start3A_50] : memref<10240x128xf32, #tpu.memory_space<vmem_shared>> -> memref<128x128xf32, #tpu.memory_space<vmem_shared>>
      tpu.enqueue_dma source(%dma_start3A_51 : memref<128x128xf32, #tpu.memory_space<vmem_shared>>) target(%arg9 : memref<128x128xf32, #tpu.memory_space<vmem>>) target_semaphore(%run_scoped3A : memref<!tpu.dma_semaphore, #tpu.memory_space<semaphore_mem>>)
      %dma_wait3A = arith.constant 0 : i32
      %dma_wait3A_52 = tpu.memref_slice %arg6[%add3A_30, %dma_wait3A] : memref<10240x128xf32, #tpu.memory_space<vmem_shared>> -> memref<128x128xf32, #tpu.memory_space<vmem_shared>>
      %dma_wait3A_53 = arith.constant 0 : i32
      %dma_wait3A_54 = tpu.memref_slice %arg6[%add3A_30, %dma_wait3A_53] : memref<10240x128xf32, #tpu.memory_space<vmem_shared>> -> memref<128x128xf32, #tpu.memory_space<vmem_shared>>
      tpu.wait_dma2 semaphore(%run_scoped3A : memref<!tpu.dma_semaphore, #tpu.memory_space<semaphore_mem>>) src(%dma_wait3A_54 : memref<128x128xf32, #tpu.memory_space<vmem_shared>>) dst(%arg9 : memref<128x128xf32, #tpu.memory_space<vmem>>)
      tpu.yield
    }) : () -> ()
    %add3A_31 = arith.constant 0 : i32
    %add3A_32 = arith.addi %mul3A_2, %add3A_31 : i32
    "tpu.region"() ({
      %run_scoped3A = tpu.sem_alloc : memref<!tpu.dma_semaphore, #tpu.memory_space<semaphore_mem>>
      %dma_start3A = arith.constant 0 : i32
      %dma_start3A_49 = arith.constant 0 : i32
      %dma_start3A_50 = tpu.memref_slice %arg5[%arg0, %dma_start3A, %dma_start3A_49] : memref<2x10240x128xf32, #tpu.memory_space<hbm>> -> memref<1x10240x128xf32, #tpu.memory_space<hbm>>
      %dma_start3A_51 = tpu.memref_squeeze %dma_start3A_50 : memref<1x10240x128xf32, #tpu.memory_space<hbm>> -> memref<10240x128xf32, #tpu.memory_space<hbm>>
      %dma_start3A_52 = arith.constant 0 : i32
      %dma_start3A_53 = tpu.memref_slice %dma_start3A_51[%add3A_32, %dma_start3A_52] : memref<10240x128xf32, #tpu.memory_space<hbm>> -> memref<128x128xf32, #tpu.memory_space<hbm>>
      %dma_start3A_54 = arith.constant 0 : i32
      %dma_start3A_55 = arith.constant 0 : i32
      %dma_start3A_56 = tpu.memref_slice %arg5[%arg0, %dma_start3A_54, %dma_start3A_55] : memref<2x10240x128xf32, #tpu.memory_space<hbm>> -> memref<1x10240x128xf32, #tpu.memory_space<hbm>>
      %dma_start3A_57 = tpu.memref_squeeze %dma_start3A_56 : memref<1x10240x128xf32, #tpu.memory_space<hbm>> -> memref<10240x128xf32, #tpu.memory_space<hbm>>
      %dma_start3A_58 = arith.constant 0 : i32
      %dma_start3A_59 = tpu.memref_slice %dma_start3A_57[%add3A_32, %dma_start3A_58] : memref<10240x128xf32, #tpu.memory_space<hbm>> -> memref<128x128xf32, #tpu.memory_space<hbm>>
      tpu.enqueue_dma source(%arg9 : memref<128x128xf32, #tpu.memory_space<vmem>>) target(%dma_start3A_59 : memref<128x128xf32, #tpu.memory_space<hbm>>) target_semaphore(%run_scoped3A : memref<!tpu.dma_semaphore, #tpu.memory_space<semaphore_mem>>)
      %dma_wait3A = arith.constant 0 : i32
      %dma_wait3A_60 = arith.constant 0 : i32
      %dma_wait3A_61 = tpu.memref_slice %arg5[%arg0, %dma_wait3A, %dma_wait3A_60] : memref<2x10240x128xf32, #tpu.memory_space<hbm>> -> memref<1x10240x128xf32, #tpu.memory_space<hbm>>
      %dma_wait3A_62 = tpu.memref_squeeze %dma_wait3A_61 : memref<1x10240x128xf32, #tpu.memory_space<hbm>> -> memref<10240x128xf32, #tpu.memory_space<hbm>>
      %dma_wait3A_63 = arith.constant 0 : i32
      %dma_wait3A_64 = tpu.memref_slice %dma_wait3A_62[%add3A_32, %dma_wait3A_63] : memref<10240x128xf32, #tpu.memory_space<hbm>> -> memref<128x128xf32, #tpu.memory_space<hbm>>
      %dma_wait3A_65 = arith.constant 0 : i32
      %dma_wait3A_66 = arith.constant 0 : i32
      %dma_wait3A_67 = tpu.memref_slice %arg5[%arg0, %dma_wait3A_65, %dma_wait3A_66] : memref<2x10240x128xf32, #tpu.memory_space<hbm>> -> memref<1x10240x128xf32, #tpu.memory_space<hbm>>
      %dma_wait3A_68 = tpu.memref_squeeze %dma_wait3A_67 : memref<1x10240x128xf32, #tpu.memory_space<hbm>> -> memref<10240x128xf32, #tpu.memory_space<hbm>>
      %dma_wait3A_69 = arith.constant 0 : i32
      %dma_wait3A_70 = tpu.memref_slice %dma_wait3A_68[%add3A_32, %dma_wait3A_69] : memref<10240x128xf32, #tpu.memory_space<hbm>> -> memref<128x128xf32, #tpu.memory_space<hbm>>
      tpu.wait_dma2 semaphore(%run_scoped3A : memref<!tpu.dma_semaphore, #tpu.memory_space<semaphore_mem>>) src(%arg9 : memref<128x128xf32, #tpu.memory_space<vmem>>) dst(%dma_wait3A_70 : memref<128x128xf32, #tpu.memory_space<hbm>>)
      tpu.yield
    }) : () -> ()
    %add3A_33 = arith.constant 128 : i32
    %add3A_34 = arith.addi %mul3A_2, %add3A_33 : i32
    "tpu.region"() ({
      %run_scoped3A = tpu.sem_alloc : memref<!tpu.dma_semaphore, #tpu.memory_space<semaphore_mem>>
      %dma_start3A = arith.constant 0 : i32
      %dma_start3A_49 = tpu.memref_slice %arg6[%add3A_34, %dma_start3A] : memref<10240x128xf32, #tpu.memory_space<vmem_shared>> -> memref<128x128xf32, #tpu.memory_space<vmem_shared>>
      %dma_start3A_50 = arith.constant 0 : i32
      %dma_start3A_51 = tpu.memref_slice %arg6[%add3A_34, %dma_start3A_50] : memref<10240x128xf32, #tpu.memory_space<vmem_shared>> -> memref<128x128xf32, #tpu.memory_space<vmem_shared>>
      tpu.enqueue_dma source(%dma_start3A_51 : memref<128x128xf32, #tpu.memory_space<vmem_shared>>) target(%arg9 : memref<128x128xf32, #tpu.memory_space<vmem>>) target_semaphore(%run_scoped3A : memref<!tpu.dma_semaphore, #tpu.memory_space<semaphore_mem>>)
      %dma_wait3A = arith.constant 0 : i32
      %dma_wait3A_52 = tpu.memref_slice %arg6[%add3A_34, %dma_wait3A] : memref<10240x128xf32, #tpu.memory_space<vmem_shared>> -> memref<128x128xf32, #tpu.memory_space<vmem_shared>>
      %dma_wait3A_53 = arith.constant 0 : i32
      %dma_wait3A_54 = tpu.memref_slice %arg6[%add3A_34, %dma_wait3A_53] : memref<10240x128xf32, #tpu.memory_space<vmem_shared>> -> memref<128x128xf32, #tpu.memory_space<vmem_shared>>
      tpu.wait_dma2 semaphore(%run_scoped3A : memref<!tpu.dma_semaphore, #tpu.memory_space<semaphore_mem>>) src(%dma_wait3A_54 : memref<128x128xf32, #tpu.memory_space<vmem_shared>>) dst(%arg9 : memref<128x128xf32, #tpu.memory_space<vmem>>)
      tpu.yield
    }) : () -> ()
    %add3A_35 = arith.constant 128 : i32
    %add3A_36 = arith.addi %mul3A_2, %add3A_35 : i32
    "tpu.region"() ({
      %run_scoped3A = tpu.sem_alloc : memref<!tpu.dma_semaphore, #tpu.memory_space<semaphore_mem>>
      %dma_start3A = arith.constant 0 : i32
      %dma_start3A_49 = arith.constant 0 : i32
      %dma_start3A_50 = tpu.memref_slice %arg5[%arg0, %dma_start3A, %dma_start3A_49] : memref<2x10240x128xf32, #tpu.memory_space<hbm>> -> memref<1x10240x128xf32, #tpu.memory_space<hbm>>
      %dma_start3A_51 = tpu.memref_squeeze %dma_start3A_50 : memref<1x10240x128xf32, #tpu.memory_space<hbm>> -> memref<10240x128xf32, #tpu.memory_space<hbm>>
      %dma_start3A_52 = arith.constant 0 : i32
      %dma_start3A_53 = tpu.memref_slice %dma_start3A_51[%add3A_36, %dma_start3A_52] : memref<10240x128xf32, #tpu.memory_space<hbm>> -> memref<128x128xf32, #tpu.memory_space<hbm>>
      %dma_start3A_54 = arith.constant 0 : i32
      %dma_start3A_55 = arith.constant 0 : i32
      %dma_start3A_56 = tpu.memref_slice %arg5[%arg0, %dma_start3A_54, %dma_start3A_55] : memref<2x10240x128xf32, #tpu.memory_space<hbm>> -> memref<1x10240x128xf32, #tpu.memory_space<hbm>>
      %dma_start3A_57 = tpu.memref_squeeze %dma_start3A_56 : memref<1x10240x128xf32, #tpu.memory_space<hbm>> -> memref<10240x128xf32, #tpu.memory_space<hbm>>
      %dma_start3A_58 = arith.constant 0 : i32
      %dma_start3A_59 = tpu.memref_slice %dma_start3A_57[%add3A_36, %dma_start3A_58] : memref<10240x128xf32, #tpu.memory_space<hbm>> -> memref<128x128xf32, #tpu.memory_space<hbm>>
      tpu.enqueue_dma source(%arg9 : memref<128x128xf32, #tpu.memory_space<vmem>>) target(%dma_start3A_59 : memref<128x128xf32, #tpu.memory_space<hbm>>) target_semaphore(%run_scoped3A : memref<!tpu.dma_semaphore, #tpu.memory_space<semaphore_mem>>)
      %dma_wait3A = arith.constant 0 : i32
      %dma_wait3A_60 = arith.constant 0 : i32
      %dma_wait3A_61 = tpu.memref_slice %arg5[%arg0, %dma_wait3A, %dma_wait3A_60] : memref<2x10240x128xf32, #tpu.memory_space<hbm>> -> memref<1x10240x128xf32, #tpu.memory_space<hbm>>
      %dma_wait3A_62 = tpu.memref_squeeze %dma_wait3A_61 : memref<1x10240x128xf32, #tpu.memory_space<hbm>> -> memref<10240x128xf32, #tpu.memory_space<hbm>>
      %dma_wait3A_63 = arith.constant 0 : i32
      %dma_wait3A_64 = tpu.memref_slice %dma_wait3A_62[%add3A_36, %dma_wait3A_63] : memref<10240x128xf32, #tpu.memory_space<hbm>> -> memref<128x128xf32, #tpu.memory_space<hbm>>
      %dma_wait3A_65 = arith.constant 0 : i32
      %dma_wait3A_66 = arith.constant 0 : i32
      %dma_wait3A_67 = tpu.memref_slice %arg5[%arg0, %dma_wait3A_65, %dma_wait3A_66] : memref<2x10240x128xf32, #tpu.memory_space<hbm>> -> memref<1x10240x128xf32, #tpu.memory_space<hbm>>
      %dma_wait3A_68 = tpu.memref_squeeze %dma_wait3A_67 : memref<1x10240x128xf32, #tpu.memory_space<hbm>> -> memref<10240x128xf32, #tpu.memory_space<hbm>>
      %dma_wait3A_69 = arith.constant 0 : i32
      %dma_wait3A_70 = tpu.memref_slice %dma_wait3A_68[%add3A_36, %dma_wait3A_69] : memref<10240x128xf32, #tpu.memory_space<hbm>> -> memref<128x128xf32, #tpu.memory_space<hbm>>
      tpu.wait_dma2 semaphore(%run_scoped3A : memref<!tpu.dma_semaphore, #tpu.memory_space<semaphore_mem>>) src(%arg9 : memref<128x128xf32, #tpu.memory_space<vmem>>) dst(%dma_wait3A_70 : memref<128x128xf32, #tpu.memory_space<hbm>>)
      tpu.yield
    }) : () -> ()
    %add3A_37 = arith.constant 256 : i32
    %add3A_38 = arith.addi %mul3A_2, %add3A_37 : i32
    "tpu.region"() ({
      %run_scoped3A = tpu.sem_alloc : memref<!tpu.dma_semaphore, #tpu.memory_space<semaphore_mem>>
      %dma_start3A = arith.constant 0 : i32
      %dma_start3A_49 = tpu.memref_slice %arg6[%add3A_38, %dma_start3A] : memref<10240x128xf32, #tpu.memory_space<vmem_shared>> -> memref<128x128xf32, #tpu.memory_space<vmem_shared>>
      %dma_start3A_50 = arith.constant 0 : i32
      %dma_start3A_51 = tpu.memref_slice %arg6[%add3A_38, %dma_start3A_50] : memref<10240x128xf32, #tpu.memory_space<vmem_shared>> -> memref<128x128xf32, #tpu.memory_space<vmem_shared>>
      tpu.enqueue_dma source(%dma_start3A_51 : memref<128x128xf32, #tpu.memory_space<vmem_shared>>) target(%arg9 : memref<128x128xf32, #tpu.memory_space<vmem>>) target_semaphore(%run_scoped3A : memref<!tpu.dma_semaphore, #tpu.memory_space<semaphore_mem>>)
      %dma_wait3A = arith.constant 0 : i32
      %dma_wait3A_52 = tpu.memref_slice %arg6[%add3A_38, %dma_wait3A] : memref<10240x128xf32, #tpu.memory_space<vmem_shared>> -> memref<128x128xf32, #tpu.memory_space<vmem_shared>>
      %dma_wait3A_53 = arith.constant 0 : i32
      %dma_wait3A_54 = tpu.memref_slice %arg6[%add3A_38, %dma_wait3A_53] : memref<10240x128xf32, #tpu.memory_space<vmem_shared>> -> memref<128x128xf32, #tpu.memory_space<vmem_shared>>
      tpu.wait_dma2 semaphore(%run_scoped3A : memref<!tpu.dma_semaphore, #tpu.memory_space<semaphore_mem>>) src(%dma_wait3A_54 : memref<128x128xf32, #tpu.memory_space<vmem_shared>>) dst(%arg9 : memref<128x128xf32, #tpu.memory_space<vmem>>)
      tpu.yield
    }) : () -> ()
    %add3A_39 = arith.constant 256 : i32
    %add3A_40 = arith.addi %mul3A_2, %add3A_39 : i32
    "tpu.region"() ({
      %run_scoped3A = tpu.sem_alloc : memref<!tpu.dma_semaphore, #tpu.memory_space<semaphore_mem>>
      %dma_start3A = arith.constant 0 : i32
      %dma_start3A_49 = arith.constant 0 : i32
      %dma_start3A_50 = tpu.memref_slice %arg5[%arg0, %dma_start3A, %dma_start3A_49] : memref<2x10240x128xf32, #tpu.memory_space<hbm>> -> memref<1x10240x128xf32, #tpu.memory_space<hbm>>
      %dma_start3A_51 = tpu.memref_squeeze %dma_start3A_50 : memref<1x10240x128xf32, #tpu.memory_space<hbm>> -> memref<10240x128xf32, #tpu.memory_space<hbm>>
      %dma_start3A_52 = arith.constant 0 : i32
      %dma_start3A_53 = tpu.memref_slice %dma_start3A_51[%add3A_40, %dma_start3A_52] : memref<10240x128xf32, #tpu.memory_space<hbm>> -> memref<128x128xf32, #tpu.memory_space<hbm>>
      %dma_start3A_54 = arith.constant 0 : i32
      %dma_start3A_55 = arith.constant 0 : i32
      %dma_start3A_56 = tpu.memref_slice %arg5[%arg0, %dma_start3A_54, %dma_start3A_55] : memref<2x10240x128xf32, #tpu.memory_space<hbm>> -> memref<1x10240x128xf32, #tpu.memory_space<hbm>>
      %dma_start3A_57 = tpu.memref_squeeze %dma_start3A_56 : memref<1x10240x128xf32, #tpu.memory_space<hbm>> -> memref<10240x128xf32, #tpu.memory_space<hbm>>
      %dma_start3A_58 = arith.constant 0 : i32
      %dma_start3A_59 = tpu.memref_slice %dma_start3A_57[%add3A_40, %dma_start3A_58] : memref<10240x128xf32, #tpu.memory_space<hbm>> -> memref<128x128xf32, #tpu.memory_space<hbm>>
      tpu.enqueue_dma source(%arg9 : memref<128x128xf32, #tpu.memory_space<vmem>>) target(%dma_start3A_59 : memref<128x128xf32, #tpu.memory_space<hbm>>) target_semaphore(%run_scoped3A : memref<!tpu.dma_semaphore, #tpu.memory_space<semaphore_mem>>)
      %dma_wait3A = arith.constant 0 : i32
      %dma_wait3A_60 = arith.constant 0 : i32
      %dma_wait3A_61 = tpu.memref_slice %arg5[%arg0, %dma_wait3A, %dma_wait3A_60] : memref<2x10240x128xf32, #tpu.memory_space<hbm>> -> memref<1x10240x128xf32, #tpu.memory_space<hbm>>
      %dma_wait3A_62 = tpu.memref_squeeze %dma_wait3A_61 : memref<1x10240x128xf32, #tpu.memory_space<hbm>> -> memref<10240x128xf32, #tpu.memory_space<hbm>>
      %dma_wait3A_63 = arith.constant 0 : i32
      %dma_wait3A_64 = tpu.memref_slice %dma_wait3A_62[%add3A_40, %dma_wait3A_63] : memref<10240x128xf32, #tpu.memory_space<hbm>> -> memref<128x128xf32, #tpu.memory_space<hbm>>
      %dma_wait3A_65 = arith.constant 0 : i32
      %dma_wait3A_66 = arith.constant 0 : i32
      %dma_wait3A_67 = tpu.memref_slice %arg5[%arg0, %dma_wait3A_65, %dma_wait3A_66] : memref<2x10240x128xf32, #tpu.memory_space<hbm>> -> memref<1x10240x128xf32, #tpu.memory_space<hbm>>
      %dma_wait3A_68 = tpu.memref_squeeze %dma_wait3A_67 : memref<1x10240x128xf32, #tpu.memory_space<hbm>> -> memref<10240x128xf32, #tpu.memory_space<hbm>>
      %dma_wait3A_69 = arith.constant 0 : i32
      %dma_wait3A_70 = tpu.memref_slice %dma_wait3A_68[%add3A_40, %dma_wait3A_69] : memref<10240x128xf32, #tpu.memory_space<hbm>> -> memref<128x128xf32, #tpu.memory_space<hbm>>
      tpu.wait_dma2 semaphore(%run_scoped3A : memref<!tpu.dma_semaphore, #tpu.memory_space<semaphore_mem>>) src(%arg9 : memref<128x128xf32, #tpu.memory_space<vmem>>) dst(%dma_wait3A_70 : memref<128x128xf32, #tpu.memory_space<hbm>>)
      tpu.yield
    }) : () -> ()
    %add3A_41 = arith.constant 384 : i32
    %add3A_42 = arith.addi %mul3A_2, %add3A_41 : i32
    "tpu.region"() ({
      %run_scoped3A = tpu.sem_alloc : memref<!tpu.dma_semaphore, #tpu.memory_space<semaphore_mem>>
      %dma_start3A = arith.constant 0 : i32
      %dma_start3A_49 = tpu.memref_slice %arg6[%add3A_42, %dma_start3A] : memref<10240x128xf32, #tpu.memory_space<vmem_shared>> -> memref<128x128xf32, #tpu.memory_space<vmem_shared>>
      %dma_start3A_50 = arith.constant 0 : i32
      %dma_start3A_51 = tpu.memref_slice %arg6[%add3A_42, %dma_start3A_50] : memref<10240x128xf32, #tpu.memory_space<vmem_shared>> -> memref<128x128xf32, #tpu.memory_space<vmem_shared>>
      tpu.enqueue_dma source(%dma_start3A_51 : memref<128x128xf32, #tpu.memory_space<vmem_shared>>) target(%arg9 : memref<128x128xf32, #tpu.memory_space<vmem>>) target_semaphore(%run_scoped3A : memref<!tpu.dma_semaphore, #tpu.memory_space<semaphore_mem>>)
      %dma_wait3A = arith.constant 0 : i32
      %dma_wait3A_52 = tpu.memref_slice %arg6[%add3A_42, %dma_wait3A] : memref<10240x128xf32, #tpu.memory_space<vmem_shared>> -> memref<128x128xf32, #tpu.memory_space<vmem_shared>>
      %dma_wait3A_53 = arith.constant 0 : i32
      %dma_wait3A_54 = tpu.memref_slice %arg6[%add3A_42, %dma_wait3A_53] : memref<10240x128xf32, #tpu.memory_space<vmem_shared>> -> memref<128x128xf32, #tpu.memory_space<vmem_shared>>
      tpu.wait_dma2 semaphore(%run_scoped3A : memref<!tpu.dma_semaphore, #tpu.memory_space<semaphore_mem>>) src(%dma_wait3A_54 : memref<128x128xf32, #tpu.memory_space<vmem_shared>>) dst(%arg9 : memref<128x128xf32, #tpu.memory_space<vmem>>)
      tpu.yield
    }) : () -> ()
    %add3A_43 = arith.constant 384 : i32
    %add3A_44 = arith.addi %mul3A_2, %add3A_43 : i32
    "tpu.region"() ({
      %run_scoped3A = tpu.sem_alloc : memref<!tpu.dma_semaphore, #tpu.memory_space<semaphore_mem>>
      %dma_start3A = arith.constant 0 : i32
      %dma_start3A_49 = arith.constant 0 : i32
      %dma_start3A_50 = tpu.memref_slice %arg5[%arg0, %dma_start3A, %dma_start3A_49] : memref<2x10240x128xf32, #tpu.memory_space<hbm>> -> memref<1x10240x128xf32, #tpu.memory_space<hbm>>
      %dma_start3A_51 = tpu.memref_squeeze %dma_start3A_50 : memref<1x10240x128xf32, #tpu.memory_space<hbm>> -> memref<10240x128xf32, #tpu.memory_space<hbm>>
      %dma_start3A_52 = arith.constant 0 : i32
      %dma_start3A_53 = tpu.memref_slice %dma_start3A_51[%add3A_44, %dma_start3A_52] : memref<10240x128xf32, #tpu.memory_space<hbm>> -> memref<128x128xf32, #tpu.memory_space<hbm>>
      %dma_start3A_54 = arith.constant 0 : i32
      %dma_start3A_55 = arith.constant 0 : i32
      %dma_start3A_56 = tpu.memref_slice %arg5[%arg0, %dma_start3A_54, %dma_start3A_55] : memref<2x10240x128xf32, #tpu.memory_space<hbm>> -> memref<1x10240x128xf32, #tpu.memory_space<hbm>>
      %dma_start3A_57 = tpu.memref_squeeze %dma_start3A_56 : memref<1x10240x128xf32, #tpu.memory_space<hbm>> -> memref<10240x128xf32, #tpu.memory_space<hbm>>
      %dma_start3A_58 = arith.constant 0 : i32
      %dma_start3A_59 = tpu.memref_slice %dma_start3A_57[%add3A_44, %dma_start3A_58] : memref<10240x128xf32, #tpu.memory_space<hbm>> -> memref<128x128xf32, #tpu.memory_space<hbm>>
      tpu.enqueue_dma source(%arg9 : memref<128x128xf32, #tpu.memory_space<vmem>>) target(%dma_start3A_59 : memref<128x128xf32, #tpu.memory_space<hbm>>) target_semaphore(%run_scoped3A : memref<!tpu.dma_semaphore, #tpu.memory_space<semaphore_mem>>)
      %dma_wait3A = arith.constant 0 : i32
      %dma_wait3A_60 = arith.constant 0 : i32
      %dma_wait3A_61 = tpu.memref_slice %arg5[%arg0, %dma_wait3A, %dma_wait3A_60] : memref<2x10240x128xf32, #tpu.memory_space<hbm>> -> memref<1x10240x128xf32, #tpu.memory_space<hbm>>
      %dma_wait3A_62 = tpu.memref_squeeze %dma_wait3A_61 : memref<1x10240x128xf32, #tpu.memory_space<hbm>> -> memref<10240x128xf32, #tpu.memory_space<hbm>>
      %dma_wait3A_63 = arith.constant 0 : i32
      %dma_wait3A_64 = tpu.memref_slice %dma_wait3A_62[%add3A_44, %dma_wait3A_63] : memref<10240x128xf32, #tpu.memory_space<hbm>> -> memref<128x128xf32, #tpu.memory_space<hbm>>
      %dma_wait3A_65 = arith.constant 0 : i32
      %dma_wait3A_66 = arith.constant 0 : i32
      %dma_wait3A_67 = tpu.memref_slice %arg5[%arg0, %dma_wait3A_65, %dma_wait3A_66] : memref<2x10240x128xf32, #tpu.memory_space<hbm>> -> memref<1x10240x128xf32, #tpu.memory_space<hbm>>
      %dma_wait3A_68 = tpu.memref_squeeze %dma_wait3A_67 : memref<1x10240x128xf32, #tpu.memory_space<hbm>> -> memref<10240x128xf32, #tpu.memory_space<hbm>>
      %dma_wait3A_69 = arith.constant 0 : i32
      %dma_wait3A_70 = tpu.memref_slice %dma_wait3A_68[%add3A_44, %dma_wait3A_69] : memref<10240x128xf32, #tpu.memory_space<hbm>> -> memref<128x128xf32, #tpu.memory_space<hbm>>
      tpu.wait_dma2 semaphore(%run_scoped3A : memref<!tpu.dma_semaphore, #tpu.memory_space<semaphore_mem>>) src(%arg9 : memref<128x128xf32, #tpu.memory_space<vmem>>) dst(%dma_wait3A_70 : memref<128x128xf32, #tpu.memory_space<hbm>>)
      tpu.yield
    }) : () -> ()
    %add3A_45 = arith.constant 512 : i32
    %add3A_46 = arith.addi %mul3A_2, %add3A_45 : i32
    "tpu.region"() ({
      %run_scoped3A = tpu.sem_alloc : memref<!tpu.dma_semaphore, #tpu.memory_space<semaphore_mem>>
      %dma_start3A = arith.constant 0 : i32
      %dma_start3A_49 = tpu.memref_slice %arg6[%add3A_46, %dma_start3A] : memref<10240x128xf32, #tpu.memory_space<vmem_shared>> -> memref<128x128xf32, #tpu.memory_space<vmem_shared>>
      %dma_start3A_50 = arith.constant 0 : i32
      %dma_start3A_51 = tpu.memref_slice %arg6[%add3A_46, %dma_start3A_50] : memref<10240x128xf32, #tpu.memory_space<vmem_shared>> -> memref<128x128xf32, #tpu.memory_space<vmem_shared>>
      tpu.enqueue_dma source(%dma_start3A_51 : memref<128x128xf32, #tpu.memory_space<vmem_shared>>) target(%arg9 : memref<128x128xf32, #tpu.memory_space<vmem>>) target_semaphore(%run_scoped3A : memref<!tpu.dma_semaphore, #tpu.memory_space<semaphore_mem>>)
      %dma_wait3A = arith.constant 0 : i32
      %dma_wait3A_52 = tpu.memref_slice %arg6[%add3A_46, %dma_wait3A] : memref<10240x128xf32, #tpu.memory_space<vmem_shared>> -> memref<128x128xf32, #tpu.memory_space<vmem_shared>>
      %dma_wait3A_53 = arith.constant 0 : i32
      %dma_wait3A_54 = tpu.memref_slice %arg6[%add3A_46, %dma_wait3A_53] : memref<10240x128xf32, #tpu.memory_space<vmem_shared>> -> memref<128x128xf32, #tpu.memory_space<vmem_shared>>
      tpu.wait_dma2 semaphore(%run_scoped3A : memref<!tpu.dma_semaphore, #tpu.memory_space<semaphore_mem>>) src(%dma_wait3A_54 : memref<128x128xf32, #tpu.memory_space<vmem_shared>>) dst(%arg9 : memref<128x128xf32, #tpu.memory_space<vmem>>)
      tpu.yield
    }) : () -> ()
    %add3A_47 = arith.constant 512 : i32
    %add3A_48 = arith.addi %mul3A_2, %add3A_47 : i32
    "tpu.region"() ({
      %run_scoped3A = tpu.sem_alloc : memref<!tpu.dma_semaphore, #tpu.memory_space<semaphore_mem>>
      %dma_start3A = arith.constant 0 : i32
      %dma_start3A_49 = arith.constant 0 : i32
      %dma_start3A_50 = tpu.memref_slice %arg5[%arg0, %dma_start3A, %dma_start3A_49] : memref<2x10240x128xf32, #tpu.memory_space<hbm>> -> memref<1x10240x128xf32, #tpu.memory_space<hbm>>
      %dma_start3A_51 = tpu.memref_squeeze %dma_start3A_50 : memref<1x10240x128xf32, #tpu.memory_space<hbm>> -> memref<10240x128xf32, #tpu.memory_space<hbm>>
      %dma_start3A_52 = arith.constant 0 : i32
      %dma_start3A_53 = tpu.memref_slice %dma_start3A_51[%add3A_48, %dma_start3A_52] : memref<10240x128xf32, #tpu.memory_space<hbm>> -> memref<128x128xf32, #tpu.memory_space<hbm>>
      %dma_start3A_54 = arith.constant 0 : i32
      %dma_start3A_55 = arith.constant 0 : i32
      %dma_start3A_56 = tpu.memref_slice %arg5[%arg0, %dma_start3A_54, %dma_start3A_55] : memref<2x10240x128xf32, #tpu.memory_space<hbm>> -> memref<1x10240x128xf32, #tpu.memory_space<hbm>>
      %dma_start3A_57 = tpu.memref_squeeze %dma_start3A_56 : memref<1x10240x128xf32, #tpu.memory_space<hbm>> -> memref<10240x128xf32, #tpu.memory_space<hbm>>
      %dma_start3A_58 = arith.constant 0 : i32
      %dma_start3A_59 = tpu.memref_slice %dma_start3A_57[%add3A_48, %dma_start3A_58] : memref<10240x128xf32, #tpu.memory_space<hbm>> -> memref<128x128xf32, #tpu.memory_space<hbm>>
      tpu.enqueue_dma source(%arg9 : memref<128x128xf32, #tpu.memory_space<vmem>>) target(%dma_start3A_59 : memref<128x128xf32, #tpu.memory_space<hbm>>) target_semaphore(%run_scoped3A : memref<!tpu.dma_semaphore, #tpu.memory_space<semaphore_mem>>)
      %dma_wait3A = arith.constant 0 : i32
      %dma_wait3A_60 = arith.constant 0 : i32
      %dma_wait3A_61 = tpu.memref_slice %arg5[%arg0, %dma_wait3A, %dma_wait3A_60] : memref<2x10240x128xf32, #tpu.memory_space<hbm>> -> memref<1x10240x128xf32, #tpu.memory_space<hbm>>
      %dma_wait3A_62 = tpu.memref_squeeze %dma_wait3A_61 : memref<1x10240x128xf32, #tpu.memory_space<hbm>> -> memref<10240x128xf32, #tpu.memory_space<hbm>>
      %dma_wait3A_63 = arith.constant 0 : i32
      %dma_wait3A_64 = tpu.memref_slice %dma_wait3A_62[%add3A_48, %dma_wait3A_63] : memref<10240x128xf32, #tpu.memory_space<hbm>> -> memref<128x128xf32, #tpu.memory_space<hbm>>
      %dma_wait3A_65 = arith.constant 0 : i32
      %dma_wait3A_66 = arith.constant 0 : i32
      %dma_wait3A_67 = tpu.memref_slice %arg5[%arg0, %dma_wait3A_65, %dma_wait3A_66] : memref<2x10240x128xf32, #tpu.memory_space<hbm>> -> memref<1x10240x128xf32, #tpu.memory_space<hbm>>
      %dma_wait3A_68 = tpu.memref_squeeze %dma_wait3A_67 : memref<1x10240x128xf32, #tpu.memory_space<hbm>> -> memref<10240x128xf32, #tpu.memory_space<hbm>>
      %dma_wait3A_69 = arith.constant 0 : i32
      %dma_wait3A_70 = tpu.memref_slice %dma_wait3A_68[%add3A_48, %dma_wait3A_69] : memref<10240x128xf32, #tpu.memory_space<hbm>> -> memref<128x128xf32, #tpu.memory_space<hbm>>
      tpu.wait_dma2 semaphore(%run_scoped3A : memref<!tpu.dma_semaphore, #tpu.memory_space<semaphore_mem>>) src(%arg9 : memref<128x128xf32, #tpu.memory_space<vmem>>) dst(%dma_wait3A_70 : memref<128x128xf32, #tpu.memory_space<hbm>>)
      tpu.yield
    }) : () -> ()
    return
  }
}

module attributes {stable_mosaic.version = 14 : i64} {
  func.func @body(%arg0: memref<10240x128xf32, #tpu.memory_space<vmem>>, %arg1: memref<128x128xf32, #tpu.memory_space<vmem>>, %arg2: memref<10240x1xf32, #tpu.memory_space<vmem>>, %arg3: memref<10240x1xf32, #tpu.memory_space<vmem>>, %arg4: memref<10240x128xf32, #tpu.memory_space<vmem>>) attributes {dimension_semantics = [], scalar_prefetch = 0 : i64, scratch_operands = 0 : i64, tpu.core_type = #tpu.core_type<tc>} {
    %get3A = arith.constant 0 : index
    %get3A_0 = arith.constant 0 : index
    %get3A_1 = vector.load %arg2[%get3A, %get3A_0] : memref<10240x1xf32, #tpu.memory_space<vmem>>, vector<10240x1xf32>
    %get3A_2 = arith.constant 0 : index
    %get3A_3 = arith.constant 0 : index
    %get3A_4 = vector.load %arg3[%get3A_2, %get3A_3] : memref<10240x1xf32, #tpu.memory_space<vmem>>, vector<10240x1xf32>
    %add3A = arith.addf %get3A_1, %get3A_4 : vector<10240x1xf32>
    %add3A_5 = arith.constant 1.000000e+00 : f32
    %add3A_6 = vector.broadcast %add3A_5 : f32 to vector<10240x1xf32>
    %add3A_7 = arith.addf %add3A, %add3A_6 : vector<10240x1xf32>
    %rsqrt3A = math.rsqrt %add3A_7 : vector<10240x1xf32>
    %get3A_8 = arith.constant 0 : index
    %get3A_9 = arith.constant 0 : index
    %get3A_10 = vector.load %arg0[%get3A_8, %get3A_9] : memref<10240x128xf32, #tpu.memory_space<vmem>>, vector<10240x128xf32>
    %get3A_11 = arith.constant 0 : index
    %get3A_12 = arith.constant 0 : index
    %get3A_13 = vector.load %arg1[%get3A_11, %get3A_12] : memref<128x128xf32, #tpu.memory_space<vmem>>, vector<128x128xf32>
    %dot_general3A = arith.constant dense<0.000000e+00> : vector<10240x128xf32>
    %dot_general3A_14 = tpu.matmul %get3A_10, %get3A_13, %dot_general3A {dimension_numbers = #tpu.dot_dimension_numbers<[1], [0], [0], [1], [0, 0, 1, 1], [], []>, transpose_lhs_hint = false} : vector<10240x128xf32>, vector<128x128xf32>, vector<10240x128xf32> -> vector<10240x128xf32>
    %mul3A = vector.broadcast %rsqrt3A : vector<10240x1xf32> to vector<10240x128xf32>
    %mul3A_15 = arith.mulf %dot_general3A_14, %mul3A : vector<10240x128xf32>
    %swap3A = arith.constant 0 : index
    %swap3A_16 = arith.constant 0 : index
    %swap3A_17 = vector.load %arg4[%swap3A, %swap3A_16] : memref<10240x128xf32, #tpu.memory_space<vmem>>, vector<10240x128xf32>
    tpu.vector_store %arg4[%swap3A, %swap3A_16], %mul3A_15 {strides = array<i32>} : memref<10240x128xf32, #tpu.memory_space<vmem>>, vector<10240x128xf32>,
    return
  }
}

module attributes {stable_mosaic.version = 14 : i64} {
  func.func @body(%arg0: memref<10000x128xf32, #tpu.memory_space<vmem>>, %arg1: memref<10000x128xf32, #tpu.memory_space<vmem>>, %arg2: memref<10000x128xf32, #tpu.memory_space<vmem>>, %arg3: memref<10000x1xf32, #tpu.memory_space<vmem>>, %arg4: memref<10000x1xf32, #tpu.memory_space<vmem>>, %arg5: memref<1x128xf32, #tpu.memory_space<vmem>>, %arg6: memref<1x128xf32, #tpu.memory_space<vmem>>, %arg7: memref<1x128xf32, #tpu.memory_space<vmem>>, %arg8: memref<10000x128xf32, #tpu.memory_space<vmem>>) attributes {dimension_semantics = [], scalar_prefetch = 0 : i64, scratch_operands = 0 : i64, tpu.core_type = #tpu.core_type<tc>} {
    %get3A = arith.constant 0 : index
    %get3A_0 = arith.constant 0 : index
    %get3A_1 = vector.load %arg3[%get3A, %get3A_0] : memref<10000x1xf32, #tpu.memory_space<vmem>>, vector<10000x1xf32>
    %get3A_2 = arith.constant 0 : index
    %get3A_3 = arith.constant 0 : index
    %get3A_4 = vector.load %arg4[%get3A_2, %get3A_3] : memref<10000x1xf32, #tpu.memory_space<vmem>>, vector<10000x1xf32>
    %add3A = arith.addf %get3A_1, %get3A_4 : vector<10000x1xf32>
    %add3A_5 = arith.constant 1.000000e+00 : f32
    %add3A_6 = vector.broadcast %add3A_5 : f32 to vector<10000x1xf32>
    %add3A_7 = arith.addf %add3A, %add3A_6 : vector<10000x1xf32>
    %rsqrt3A = math.rsqrt %add3A_7 : vector<10000x1xf32>
    %get3A_8 = arith.constant 0 : index
    %get3A_9 = arith.constant 0 : index
    %get3A_10 = vector.load %arg0[%get3A_8, %get3A_9] : memref<10000x128xf32, #tpu.memory_space<vmem>>, vector<10000x128xf32>
    %get3A_11 = arith.constant 0 : index
    %get3A_12 = arith.constant 0 : index
    %get3A_13 = vector.load %arg1[%get3A_11, %get3A_12] : memref<10000x128xf32, #tpu.memory_space<vmem>>, vector<10000x128xf32>
    %add3A_14 = arith.addf %get3A_10, %get3A_13 : vector<10000x128xf32>
    %get3A_15 = arith.constant 0 : index
    %get3A_16 = arith.constant 0 : index
    %get3A_17 = vector.load %arg2[%get3A_15, %get3A_16] : memref<10000x128xf32, #tpu.memory_space<vmem>>, vector<10000x128xf32>
    %sub3A = arith.subf %add3A_14, %get3A_17 : vector<10000x128xf32>
    %mul3A = vector.broadcast %rsqrt3A : vector<10000x1xf32> to vector<10000x128xf32>
    %mul3A_18 = arith.mulf %sub3A, %mul3A : vector<10000x128xf32>
    %get3A_19 = arith.constant 0 : index
    %get3A_20 = arith.constant 0 : index
    %get3A_21 = vector.load %arg5[%get3A_19, %get3A_20] : memref<1x128xf32, #tpu.memory_space<vmem>>, vector<1x128xf32>
    %add3A_22 = vector.broadcast %get3A_21 : vector<1x128xf32> to vector<10000x128xf32>
    %add3A_23 = arith.addf %mul3A_18, %add3A_22 : vector<10000x128xf32>
    %max3A = arith.constant 0.000000e+00 : f32
    %max3A_24 = vector.broadcast %max3A : f32 to vector<10000x128xf32>
    %max3A_25 = arith.maximumf %add3A_23, %max3A_24 : vector<10000x128xf32>
    %reduce_sum3A = arith.constant dense<0.000000e+00> : vector<128xf32>
    %reduce_sum3A_26 = vector.multi_reduction <add>, %max3A_25, %reduce_sum3A [0] : vector<10000x128xf32> to vector<128xf32>
    %broadcast_in_dim3A = vector.shape_cast %reduce_sum3A_26 : vector<128xf32> to vector<1x128xf32>
    %div3A = arith.constant 1.000000e+04 : f32
    %div3A_27 = vector.broadcast %div3A : f32 to vector<1x128xf32>
    %div3A_28 = arith.divf %broadcast_in_dim3A, %div3A_27 : vector<1x128xf32>
    %sub3A_29 = vector.broadcast %div3A_28 : vector<1x128xf32> to vector<10000x128xf32>
    %sub3A_30 = arith.subf %max3A_25, %sub3A_29 : vector<10000x128xf32>
    %integer_pow3A = arith.mulf %sub3A_30, %sub3A_30 : vector<10000x128xf32>
    %reduce_sum3A_31 = arith.constant dense<0.000000e+00> : vector<128xf32>
    %reduce_sum3A_32 = vector.multi_reduction <add>, %integer_pow3A, %reduce_sum3A_31 [0] : vector<10000x128xf32> to vector<128xf32>
    %broadcast_in_dim3A_33 = vector.shape_cast %reduce_sum3A_32 : vector<128xf32> to vector<1x128xf32>
    %div3A_34 = arith.constant 1.000000e+04 : f32
    %div3A_35 = vector.broadcast %div3A_34 : f32 to vector<1x128xf32>
    %div3A_36 = arith.divf %broadcast_in_dim3A_33, %div3A_35 : vector<1x128xf32>
    %sub3A_37 = vector.broadcast %div3A_28 : vector<1x128xf32> to vector<10000x128xf32>
    %sub3A_38 = arith.subf %max3A_25, %sub3A_37 : vector<10000x128xf32>
    %add3A_39 = arith.constant 9.99999974E-6 : f32
    %add3A_40 = vector.broadcast %add3A_39 : f32 to vector<1x128xf32>
    %add3A_41 = arith.addf %div3A_36, %add3A_40 : vector<1x128xf32>
    %rsqrt3A_42 = math.rsqrt %add3A_41 : vector<1x128xf32>
    %mul3A_43 = vector.broadcast %rsqrt3A_42 : vector<1x128xf32> to vector<10000x128xf32>
    %mul3A_44 = arith.mulf %sub3A_38, %mul3A_43 : vector<10000x128xf32>
    %get3A_45 = arith.constant 0 : index
    %get3A_46 = arith.constant 0 : index
    %get3A_47 = vector.load %arg6[%get3A_45, %get3A_46] : memref<1x128xf32, #tpu.memory_space<vmem>>, vector<1x128xf32>
    %mul3A_48 = vector.broadcast %get3A_47 : vector<1x128xf32> to vector<10000x128xf32>
    %mul3A_49 = arith.mulf %mul3A_44, %mul3A_48 : vector<10000x128xf32>
    %get3A_50 = arith.constant 0 : index
    %get3A_51 = arith.constant 0 : index
    %get3A_52 = vector.load %arg7[%get3A_50, %get3A_51] : memref<1x128xf32, #tpu.memory_space<vmem>>, vector<1x128xf32>
    %add3A_53 = vector.broadcast %get3A_52 : vector<1x128xf32> to vector<10000x128xf32>
    %add3A_54 = arith.addf %mul3A_49, %add3A_53 : vector<10000x128xf32>
    %swap3A = arith.constant 0 : index
    %swap3A_55 = arith.constant 0 : index
    %swap3A_56 = vector.load %arg8[%swap3A, %swap3A_55] : memref<10000x128xf32, #tpu.memory_space<vmem>>, vector<10000x128xf32>
    tpu.vector_store %arg8[%swap3A, %swap3A_55], %add3A_54 {strides = array<i32>} : memref<10000x128xf32, #tpu.memory_space<vmem>>, vector<10000x128xf32>,
    return
  }
}

</mosaic_0001>

<sc_bundles>
// kernel: kernel.6.cloned.1.call-start
scs
__scs_entry_jumppad:
0x0: {  	(pc) =	sbr.rel $0x88, $3  }
0x1: {  	(tag) =	ssettag $0x0;
	lr =	simm.s32 $0x1  }
0x2: {  	[smem:$0x3F9B] =	sst lr;
	_ =	strace $0xD0000000  }
0x3: {  	_ = 	snop  }
0x4: {  	_ = 	snop  }
0x5: {  	_ = 	snop  }
0x6: {  	_ = 	snop  }
0x7: {  	_ = 	snop  }
__scs_overlays_trampoline_lowered:
0x8: {  	[smem:$0x3FAA] =	sst s0  }
0x9: {  	[smem:$0x3FAB] =	sst s1  }
0xa: {  	[smem:$0x3FAC] =	sst s2  }
0xb: {  	[smem:$0x3FAD] =	sst s3  }
0xc: {  	[smem:$0x3FAE] =	sst s4  }
0xd: {  	[smem:$0x3FAF] =	sst s5  }
0xe: {  	[smem:$0x3FB0] =	sst s6  }
0xf: {  	[smem:$0x3FB1] =	sst s7  }
0x10: {  	[smem:$0x3FB2] =	sst s8  }
0x11: {  	[smem:$0x3FB3] =	sst s9;
	s0 =	simm.s32 @!p0 $0x0  }
0x12: {  	s1 =	sld [smem:$0x3F99];
	s0 =	simm.s32 @p0 $0x1  }
0x13: {  	[smem:$0x3FB4] =	sst s0;
	s0 =	simm.s32 @!p1 $0x0  }
0x14: {  	s2 =	sld [smem:$0x3F98];
	s0 =	simm.s32 @p1 $0x1  }
0x15: {  	[smem:$0x3FB5] =	sst s0;
	s0 =	simm.s32 @!p2 $0x0  }
0x16: {  	s3 =	sld [smem:$0x3FDB];
	s0 =	simm.s32 @p2 $0x1  }
0x17: {  	s4 =	simm.s32 $0x1BF5;
	[smem:$0x3FB7] =	sst s0  }
0x18: {  	s0 =	sld [smem:$0x3F9A];
	_ =	swait.ge [sflag:s4], $0x0  }
0x19: {  	s7 =	sld [smem:$0x3F9B]  }
0x1a: {  	s8 =	sadd.s32 $0xFFFFE003, lr  }
0x1b: {  	s9 =	sadd.s32 $0xFFFFFEF7, lr;
	s5 =	simm.s32 $0xFFFFFFFF;
	p2 =	slt.u32 s8, $0xFFFFF086  }
0x1c: {  	p1 =	slt.u32 s9, $0xF7A;
	s5 =	simm.s32 @!p2 $0x0  }
0x1d: {  	s5 =	simm.s32 @p1 $0x1;
	p0 =	seq.s32 s7, s2  }
0x1e: {  	s7 =	smul.u32 @!p0 $0xF7A, s2;
	p2 =	seq.s32 @!p0 s5, $0x0  }
0x1f: {  	s9 =	smul.u32 $0xF7A, s1;
	s8 =	simm.s32 @!p0 $0x1BF5;
	p2 =	por !p2, p0  }
0x20: {  	[sflag:s8] =	ssyncset.s32 @!p0 $0xFFFFF086;
	s6 =	sadd.s32 @!p0 s3, s7;
	s7 =	simm.s32 @!p0 $0x108  }
0x21: {  	s3 =	sadd.s32 s3, s9;
	s6 =	sadd.s32 @!p0 $0x88, s6;
	s7 =	simm.s32 @p2 $0x1082  }
0x22: {  	[simem:s7], [sflag:s8] =	dma.local @!p0 [hbm:s6], $0xF7A  }
0x23: {  	s9 =	sor.u32 $0xD0000000, s2;
	s6 =	simm.s32 $0x108;
	_ =	swait.ge @!p0 [sflag:s8], $0x0  }
0x24: {  	s3 =	sadd.s32 $0x88, s3;
	s6 =	simm.s32 @!p1 $0x1082;
	[sflag:s4] =	ssyncset.s32 $0xFFFFF086  }
0x25: {  	[simem:s6], [sflag:s4] =	dma.local [hbm:s3], $0xF7A  }
0x26: {  	[smem:$0x3F9B] =	sst s1;
	(tag) =	ssettag s2;
	_ =	strace s9  }
0x27: {  	s1 =	sld [smem:$0x3FAB]  }
0x28: {  	s2 =	sld [smem:$0x3FAC]  }
0x29: {  	s4 =	sld [smem:$0x3FAE]  }
0x2a: {  	p0 =	seq.s32 s5, $0x0;
	s5 =	sld [smem:$0x3FAF]  }
0x2b: {  	s6 =	sld [smem:$0x3FB0]  }
0x2c: {  	s7 =	sld [smem:$0x3FB1]  }
0x2d: {  	s3 =	simm.s32 $0x108;
	s8 =	sld [smem:$0x3FB2]  }
0x2e: {  	s3 =	simm.s32 @!p0 $0x1082;
	s9 =	sld [smem:$0x3FB3]  }
0x2f: {  	lr =	sadd.s32 s0, s3;
	s0 =	sld [smem:$0x3FAA]  }
0x30: {  	s3 =	sld [smem:$0x3FAD]  }
0x31: {  	[smem:$0x3FB6] =	sst s10  }
0x32: {  	s10 =	sld [smem:$0x3FB4];
	_ =	sdelay $0x3  }
0x33: {  	p0 =	seq.s32 s10, $0x1;
	s10 =	sld [smem:$0x3FB6];
	_ =	sdelay $0x3  }
0x34: {  	[smem:$0x3FB6] =	sst s10  }
0x35: {  	s10 =	sld [smem:$0x3FB5];
	_ =	sdelay $0x3  }
0x36: {  	p1 =	seq.s32 s10, $0x1;
	s10 =	sld [smem:$0x3FB6];
	_ =	sdelay $0x3  }
0x37: {  	[smem:$0x3FB6] =	sst s10  }
0x38: {  	s10 =	sld [smem:$0x3FB7]  }
0x39: {  	_ = 	snop;
	(pc) =	sbr.ind lr, $3  }
0x3a: {  	_ = 	snop  }
0x3b: {  	_ = 	snop  }
0x3c: {  	p2 =	seq.s32 s10, $0x1;
	s10 =	sld [smem:$0x3FB6]  }
0x3d: {  	_ =	shalt  }
0x3e: {  	_ =	shalt  }
0x3f: {  	_ =	shalt  }
0x40: {  	_ =	shalt  }
0x41: {  	_ =	shalt  }
0x42: {  	_ =	shalt  }
0x43: {  	_ =	shalt  }
0x44: {  	_ =	shalt  }
0x45: {  	_ =	shalt  }
0x46: {  	_ =	shalt  }
0x47: {  	_ =	shalt  }
0x48: {  	_ =	shalt  }
0x49: {  	_ =	shalt  }
0x4a: {  	_ =	shalt  }
0x4b: {  	_ =	shalt  }
0x4c: {  	_ =	shalt  }
0x4d: {  	_ =	shalt  }
0x4e: {  	_ =	shalt  }
0x4f: {  	_ =	shalt  }
0x50: {  	_ =	shalt  }
0x51: {  	_ =	shalt  }
0x52: {  	_ =	shalt  }
0x53: {  	_ =	shalt  }
0x54: {  	_ =	shalt  }
0x55: {  	_ =	shalt  }
0x56: {  	_ =	shalt  }
0x57: {  	_ =	shalt  }
0x58: {  	_ =	shalt  }
0x59: {  	_ =	shalt  }
0x5a: {  	_ =	shalt  }
0x5b: {  	_ =	shalt  }
0x5c: {  	_ =	shalt  }
0x5d: {  	_ =	shalt  }
0x5e: {  	_ =	shalt  }
0x5f: {  	_ =	shalt  }
0x60: {  	_ =	shalt  }
0x61: {  	_ =	shalt  }
0x62: {  	_ =	shalt  }
0x63: {  	_ =	shalt  }
0x64: {  	_ =	shalt  }
0x65: {  	_ =	shalt  }
0x66: {  	_ =	shalt  }
0x67: {  	_ =	shalt  }
0x68: {  	_ =	shalt  }
0x69: {  	_ =	shalt  }
0x6a: {  	_ =	shalt  }
0x6b: {  	_ =	shalt  }
0x6c: {  	_ =	shalt  }
0x6d: {  	_ =	shalt  }
0x6e: {  	_ =	shalt  }
0x6f: {  	_ =	shalt  }
0x70: {  	_ =	shalt  }
0x71: {  	_ =	shalt  }
0x72: {  	_ =	shalt  }
0x73: {  	_ =	shalt  }
0x74: {  	_ =	shalt  }
0x75: {  	_ =	shalt  }
0x76: {  	_ =	shalt  }
0x77: {  	_ =	shalt  }
0x78: {  	_ =	shalt  }
0x79: {  	_ =	shalt  }
0x7a: {  	_ =	shalt  }
0x7b: {  	_ =	shalt  }
0x7c: {  	_ =	shalt  }
0x7d: {  	_ =	shalt  }
0x7e: {  	_ =	shalt  }
0x7f: {  	_ =	shalt  }
0x80: {  	_ =	shalt  }
0x81: {  	_ =	shalt  }
0x82: {  	_ =	shalt  }
0x83: {  	_ =	shalt  }
0x84: {  	_ =	shalt  }
0x85: {  	_ =	shalt  }
0x86: {  	_ =	shalt  }
0x87: {  	_ =	shalt  }
.Lfunc_end0:
.L_simem_size_0:
called_computation_lowered:
.L_overlay_start_0:
0x88: {  	s2 =	sld [smem:$0x3FD9]  }
0x89: {  	s3 =	sld [smem:$0x3FFE];
	_ =	sdelay $0x1  }
0x8a: {  	s1 =	srdreg.scid  }
0x8b: {  	s0 =	sand.u32 $0x1, s1  }
0x8c: {  	s17 =	sshll.u32 s0, $0xA;
	s2 =	sadd.s32 s3, s2  }
0x8d: {  	s2 =	sadd.s32 s2, s17  }
0x8e: {  	[smem:$0x3FC2] =	sst s2  }
0x8f: {  	_ = 	snop  }
0x90: {  	s2 =	sld [smem:$0x3FD0];
	(tm) =	ssettm $0x1  }
0x91: {  	s18 =	sld [smem:$0x3FFB];
	_ =	sdelay $0x3  }
0x92: {  	_ =	strace s18  }
0x93: {  	s3 =	sld [smem:$0x3FFC];
	_ =	sdelay $0x3  }
0x94: {  	_ =	strace s3  }
0x95: {  	s3 =	sld [smem:$0x3FFD];
	_ =	sdelay $0x3  }
0x96: {  	_ =	strace s3  }
0x97: {  	_ =	strace $0x8FFFFFFF  }
0x98: {  	s19 =	sld [smem:$0x3FDB];
	_ =	sdelay $0x1  }
0x99: {  	s4 =	simm.s32 $_scs_section_size  }
0x9a: {  	s5 =	simm.s32 $_size__tile_overlayer_lowered;
	s6 =	simm.s32 $_tile_overlayer_lowered  }
0x9b: {  	s22 =	simm.s32 $0x1BFF;
	s21 =	sshll.u32 s6, $0x1;
	s3 =	sadd.s32 s4, s19  }
0x9c: {  	s7 =	simm.s32 $0x0;
	s20 =	sshll.u32 s5, $0x1;
	s5 =	sadd.s32 s21, s3  }
0x9d: {  	[timem:s7], [sflag:s22] =	dma.local [hbm:s5], s20  }
0x9e: {  	_ =	swait.ge [sflag:s22], s20  }
0x9f: {  	s4 =	ssub.s32 $0x0, s20;
	[sflag:s22] =	ssyncset.done $0x0  }
0xa0: {  	[sflag:s22] =	ssyncadd.s32 s4;
	_ =	sdelay $0x1  }
0xa1: {  	s23 =	simm.s32 $0x1B8B  }
0xa2: {  	_ =	swait.ge [sflag:s23], $0x1  }
0xa3: {  	[sflag:s23] =	ssyncset.done $0x0  }
0xa4: {  	s25 =	simm.s32 $0x1B8E;
	s24 =	sld [smem:$0x3FFE];
	[sflag:s23] =	ssyncadd.s32 $0xFFFFFFFF  }
0xa5: {  	s26 =	simm.s32 $execute0_lowered;
	[smem:$0x3FD2] =	sst s25  }
0xa6: {  	s5 =	sshll.u32 s26, $0x1;
	_ =	strace $0x80000046;
	[dreg:$0x1] =	wrdreg $0xFFFFFFFF  }
0xa7: {  	s28 =	simm.s32 $_size_execute0_lowered;
	s3 =	sadd.s32 s3, s5;
	[dreg:$0x0] =	wrdreg $0x0  }
0xa8: {  	s5 =	sshll.u32 s28, $0x1;
	[dreg:$0x2] =	wrdreg s3  }
0xa9: {  	[dreg:$0x3] =	wrdreg s5  }
0xaa: {  	[dreg:$0x4] =	wrdreg $0xC0  }
0xab: {  	_ =	task [dreg:s7], $0x5FFFF  }
0xac: {  	[dreg:$0x1] =	wrdreg $0xFFFFFFFF  }
0xad: {  	[dreg:$0x0] =	wrdreg $0x60  }
0xae: {  	[dreg:$0x2] =	wrdreg s2  }
0xaf: {  	[dreg:$0x3] =	wrdreg s24  }
0xb0: {  	[dreg:$0x4] =	wrdreg $0x0  }
0xb1: {  	[dreg:$0x5] =	wrdreg $0x9  }
0xb2: {  	_ =	task.clear_ibuf [dreg:s7], $0x6FFFF;
	_ =	strace $0x90000046  }
0xb3: {  	s29 =	simm.s32 $0x9;
	_ =	strace $0x80000048  }
0xb4: {  	_ =	swait.ge [sflag:s29], $0x1  }
0xb5: {  	[sflag:s29] =	ssyncadd.s32 $0xFFFFFFFF  }
0xb6: {  	_ =	strace $0x90000048  }
0xb7: {  	_ =	sfence  }
0xb8: {  	s30 =	sld [smem:$0x0];
	_ =	sdelay $0x2  }
0xb9: {  	s31 =	sshll.u32 s1, $0xD;
	s1 =	sshrl.u32 s1, $0x2  }
0xba: {  	s3 =	sand.u32 $0x4000, s31;
	s1 =	sadd.s32 s1, s30  }
0xbb: {  	s0 =	sor.u32 s3, s0;
	s1 =	sshll.u32 s1, $0x11  }
0xbc: {  	s0 =	sor.u32 s1, s0  }
0xbd: {  	s0 =	sadd.s32 $0x8F2B, s0  }
0xbe: {  	[sflag:s0] =	ssyncadd.remote.s32 $0x1  }
0xbf: {  	_ =	sfence.sel $0xFFFF  }
0xc0: {  	[dreg:$0x0] =	wrdreg $0xFFFFFFFF;
	(pc) =	sbr.abs _section_cstart, $3  }
0xc1: {  	[dreg:$0x1] =	wrdreg $0xFFFFFFFF  }
0xc2: {  	_ =	task.clear_ibuf [dreg:s7], $0x2FFFF;
	_ =	strace $0x9FFFFFFF  }
0xc3: {  	(tm) =	ssettm $0x7FFFFFFF  }
tec
execute0_lowered:
.L_overlay_start_1:
0x0: {  	(tag) =	ssettag $0x1  }
0x1: {  	s11 =	rddreg [dreg:$0x0]  }
0x2: {  	s6 =	rddreg [dreg:$0x1]  }
0x3: {  	s1 =	rddreg [dreg:$0x2];
	s3 =	srdreg.scid  }
0x4: {  	s0 =	rddreg [dreg:$0x3];
	s8 =	sand.u32 $0x1, s3  }
0x5: {  	s2 =	simm.s32 $0x0;
	s3 =	stileid.u32;
	s7 =	smul.u32 $0x28000, s8  }
0x6: {  	[smem:$0x7FF] =	sst s2;
	s4 =	sadd.s32 $0x2E00, s6;
	s9 =	smul.u32 $0x280, s3  }
0x7: {  	s5 =	sadd.s32 $0x2600, s6;
	_ =	strace $0x80000047;
	s12 =	smul.u32 $0x50000, s3  }
0x8: {  	s10 =	ssub.s32 $0x2, s8;
	s8 =	sshll.u32 s8, $0x4;
	s30 =	smul.u32 $0x2800, s3  }
0x9: {  	s23 =	sshrl.u32 s10, $0x1;
	s8 =	sor.u32 s3, s8;
	s13 =	sadd.s32 s7, s6  }
0xa: {  	s14 =	ssub.s32 s10, s23;
	s24 =	sshrl.u32 s12, $0x2;
	s25 =	sadd.s32 $0x80, s9  }
0xb: {  	s15 =	sadd.s32 $0x100, s9;
	s16 =	sadd.s32 $0x180, s9;
	s17 =	sadd.s32 $0x200, s9  }
0xc: {  	s19 =	smul.u32 $0x500, s8;
	s6 =	sadd.s32 s24, s1;
	s26 =	sshll.u32 s25, $0x7  }
0xd: {  	s28 =	sshll.u32 s15, $0x7;
	s29 =	sshll.u32 s16, $0x7;
	s18 =	sshll.u32 s17, $0x7  }
0xe: {  	s21 =	sadd.s32 $0x3600, s13;
	s31 =	sshll.u32 s25, $0x4;
	s20 =	sshll.u32 s15, $0x4  }
0xf: {  	s22 =	sshll.u32 s16, $0x4;
	s23 =	sshll.u32 s17, $0x4;
	s12 =	smax.u32 s14, $0x1  }
0x10: {  	s13 =	simm.s32 $0x16800;
	s14 =	simm.s32 $0x1;
	s15 =	simm.s32 $0x14000  }
0x11: {  	s16 =	simm.s32 $0x80;
	s7 =	sadd.s32 s26, s1;
	s8 =	sadd.s32 s28, s1  }
0x12: {  	s9 =	sadd.s32 s29, s1;
	s10 =	sadd.s32 s18, s1;
	s11 =	sadd.s32 s11, s19  }
0x13: {  	s17 =	sadd.s32 s30, s21;
	s18 =	sadd.s32 s31, s21;
	s19 =	sadd.s32 s20, s21  }
0x14: {  	s20 =	sadd.s32 s22, s21;
	s21 =	sadd.s32 s23, s21;
	s22 =	simm.s32 $0x0  }
.LBB2_1:
0x15: {  	[tilespmem:s13], [sflag:$0x1] =	stream.linear.gather [hbm4b:s5+s2], $0x4000, $0x38;
	[tilespmem:$0x1A800] =	vst v63  }
0x16: {  	_ =	swait.ge [sflag:s14], $0x4000  }
0x17: {  	[sflag:s14] =	ssyncset.done $0x0  }
0x18: {  	[sflag:s14] =	ssyncadd.s32 $0xFFFFC000  }
0x19: {  	[spmem:s6] =	stream.linear.scatter [tilespmem:s13], [sflag:$0x1], $0x4000, $0x38;
	[tilespmem:$0x1A800] =	vst v63  }
0x1a: {  	_ =	swait.ge [sflag:s14], $0x4000  }
0x1b: {  	[sflag:s14] =	ssyncset.done $0x0  }
0x1c: {  	[sflag:s14] =	ssyncadd.s32 $0xFFFFC000  }
0x1d: {  	[spmem:s7] =	stream.linear.scatter [tilespmem:s13], [sflag:$0x1], $0x4000, $0x38;
	[tilespmem:$0x1A800] =	vst v63  }
0x1e: {  	_ =	swait.ge [sflag:s14], $0x4000  }
0x1f: {  	[sflag:s14] =	ssyncset.done $0x0  }
0x20: {  	[sflag:s14] =	ssyncadd.s32 $0xFFFFC000  }
0x21: {  	[spmem:s8] =	stream.linear.scatter [tilespmem:s13], [sflag:$0x1], $0x4000, $0x38;
	[tilespmem:$0x1A800] =	vst v63  }
0x22: {  	_ =	swait.ge [sflag:s14], $0x4000  }
0x23: {  	[sflag:s14] =	ssyncset.done $0x0  }
0x24: {  	[sflag:s14] =	ssyncadd.s32 $0xFFFFC000  }
0x25: {  	[spmem:s9] =	stream.linear.scatter [tilespmem:s13], [sflag:$0x1], $0x4000, $0x38;
	[tilespmem:$0x1A800] =	vst v63  }
0x26: {  	_ =	swait.ge [sflag:s14], $0x4000  }
0x27: {  	[sflag:s14] =	ssyncset.done $0x0  }
0x28: {  	[sflag:s14] =	ssyncadd.s32 $0xFFFFC000  }
0x29: {  	[spmem:s10] =	stream.linear.scatter [tilespmem:s13], [sflag:$0x1], $0x4000, $0x38;
	[tilespmem:$0x1A800] =	vst v63  }
0x2a: {  	_ =	swait.ge [sflag:s14], $0x4000  }
0x2b: {  	[sflag:s14] =	ssyncset.done $0x0  }
0x2c: {  	[sflag:s14] =	ssyncadd.s32 $0xFFFFC000  }
0x2d: {  	[tilespmem:s13], [sflag:$0x1] =	stream.linear.gather [hbm4b:s4+s2], $0x4000, $0x38;
	[tilespmem:$0x1A800] =	vst v63  }
0x2e: {  	_ =	swait.ge [sflag:s14], $0x4000  }
0x2f: {  	[sflag:s14] =	ssyncset.done $0x0  }
0x30: {  	[sflag:s14] =	ssyncadd.s32 $0xFFFFC000  }
0x31: {  	[tilespmem:s15], [sflag:$0x1] =	stream.linear.gather [hbm4b:s11+s2], $0x2780, $0x38;
	[tilespmem:$0x1A800] =	vst v63  }
0x32: {  	_ =	swait.ge [sflag:s14], $0x2780  }
0x33: {  	[sflag:s14] =	ssyncset.done $0x0  }
0x34: {  	[sflag:s14] =	ssyncadd.s32 $0xFFFFD880  }
0x35: {  	s23 =	simm.s32 $0x14000;
	[bflag:$0x0] =	sbarrier.arrive $0xFFFF  }
0x36: {  	[spmem:s1] =	stream.indirect.scatter.add.f32 [tilespmem:s13], [sflag:$0x1], $0x80, s23, s16, $0xb8;
	[tilespmem:$0x1A800] =	vst v63  }
0x37: {  	s23 =	simm.s32 $0x200;
	_ =	swait.ge [sflag:s14], $0x4000  }
.LBB2_2:
0x38: {  	s24 =	sshra.s32 s23, $0x2;
	[sflag:s14] =	ssyncset.done $0x0;
	p0 =	sne.s32 s23, $0x9C00  }
.Ltmp0:
0x39: {  	s24 =	sadd.s32 $0x14000, s24;
	[sflag:s14] =	ssyncadd.s32 $0xFFFFC000;
	(pc) =	sbr.rel @p0 .LBB2_2-.Ltmp0, $3  }
0x3a: {  	[spmem:s1] =	stream.indirect.scatter.add.f32 [tilespmem:s13], [sflag:$0x1], $0x80, s24, s16, $0xb8;
	[tilespmem:$0x1A800] =	vst v63  }
0x3b: {  	s23 =	sadd.s32 $0x200, s23;
	_ =	sdelay $0x1  }
0x3c: {  	_ =	swait.ge [sflag:s14], $0x4000  }
0x3d: {  	[sflag:s14] =	ssyncset.done $0x0  }
0x3e: {  	[sflag:s14] =	ssyncadd.s32 $0xFFFFC000  }
0x3f: {  	[bflag:$0x0] =	sbarrier.arrive $0xFFFF  }
0x40: {  	[tilespmem:s13], [sflag:$0x1] =	stream.linear.gather [spmem:s6], $0x4000, $0x38;
	[tilespmem:$0x1A800] =	vst v63  }
0x41: {  	_ =	swait.ge [sflag:s14], $0x4000  }
0x42: {  	[sflag:s14] =	ssyncset.done $0x0  }
0x43: {  	[sflag:s14] =	ssyncadd.s32 $0xFFFFC000  }
0x44: {  	[hbm4b:s17+s2] =	stream.linear.scatter [tilespmem:s13], [sflag:$0x1], $0x4000, $0x38;
	[tilespmem:$0x1A800] =	vst v63  }
0x45: {  	_ =	swait.ge [sflag:s14], $0x4000  }
0x46: {  	[sflag:s14] =	ssyncset.done $0x0  }
0x47: {  	[sflag:s14] =	ssyncadd.s32 $0xFFFFC000  }
0x48: {  	[tilespmem:s13], [sflag:$0x1] =	stream.linear.gather [spmem:s7], $0x4000, $0x38;
	[tilespmem:$0x1A800] =	vst v63  }
0x49: {  	_ =	swait.ge [sflag:s14], $0x4000  }
0x4a: {  	[sflag:s14] =	ssyncset.done $0x0  }
0x4b: {  	[sflag:s14] =	ssyncadd.s32 $0xFFFFC000  }
0x4c: {  	[hbm4b:s18+s2] =	stream.linear.scatter [tilespmem:s13], [sflag:$0x1], $0x4000, $0x38;
	[tilespmem:$0x1A800] =	vst v63  }
0x4d: {  	_ =	swait.ge [sflag:s14], $0x4000  }
0x4e: {  	[sflag:s14] =	ssyncset.done $0x0  }
0x4f: {  	[sflag:s14] =	ssyncadd.s32 $0xFFFFC000  }
0x50: {  	[tilespmem:s13], [sflag:$0x1] =	stream.linear.gather [spmem:s8], $0x4000, $0x38;
	[tilespmem:$0x1A800] =	vst v63  }
0x51: {  	_ =	swait.ge [sflag:s14], $0x4000  }
0x52: {  	[sflag:s14] =	ssyncset.done $0x0  }
0x53: {  	[sflag:s14] =	ssyncadd.s32 $0xFFFFC000  }
0x54: {  	[hbm4b:s19+s2] =	stream.linear.scatter [tilespmem:s13], [sflag:$0x1], $0x4000, $0x38;
	[tilespmem:$0x1A800] =	vst v63  }
0x55: {  	_ =	swait.ge [sflag:s14], $0x4000  }
0x56: {  	[sflag:s14] =	ssyncset.done $0x0  }
0x57: {  	[sflag:s14] =	ssyncadd.s32 $0xFFFFC000  }
0x58: {  	[tilespmem:s13], [sflag:$0x1] =	stream.linear.gather [spmem:s9], $0x4000, $0x38;
	[tilespmem:$0x1A800] =	vst v63  }
0x59: {  	_ =	swait.ge [sflag:s14], $0x4000  }
0x5a: {  	[sflag:s14] =	ssyncset.done $0x0  }
0x5b: {  	[sflag:s14] =	ssyncadd.s32 $0xFFFFC000  }
0x5c: {  	[hbm4b:s20+s2] =	stream.linear.scatter [tilespmem:s13], [sflag:$0x1], $0x4000, $0x38;
	[tilespmem:$0x1A800] =	vst v63  }
0x5d: {  	_ =	swait.ge [sflag:s14], $0x4000  }
0x5e: {  	[sflag:s14] =	ssyncset.done $0x0  }
0x5f: {  	[sflag:s14] =	ssyncadd.s32 $0xFFFFC000  }
0x60: {  	[tilespmem:s13], [sflag:$0x1] =	stream.linear.gather [spmem:s10], $0x4000, $0x38;
	[tilespmem:$0x1A800] =	vst v63  }
0x61: {  	s22 =	sadd.s32 $0x1, s22;
	_ =	swait.ge [sflag:s14], $0x4000  }
0x62: {  	p0 =	sne.s32 s22, s12;
	[sflag:s14] =	ssyncset.done $0x0  }
.Ltmp1:
0x63: {  	[sflag:s14] =	ssyncadd.s32 $0xFFFFC000;
	(pc) =	sbr.rel @p0 .LBB2_1-.Ltmp1, $4  }
0x64: {  	[hbm4b:s21+s2] =	stream.linear.scatter [tilespmem:s13], [sflag:$0x1], $0x4000, $0x38;
	[tilespmem:$0x1A800] =	vst v63  }
0x65: {  	_ =	swait.ge [sflag:s14], $0x4000  }
0x66: {  	[sflag:s14] =	ssyncset.done $0x0  }
0x67: {  	[sflag:s14] =	ssyncadd.s32 $0xFFFFC000  }
0x68: {  	_ =	sfence.sel $0x180000  }
0x69: {  	[bflag:$0x0] =	sbarrier.arrive $0xFFFF  }
0x6a: {  	p0 =	sne.s32 s3, $0x0;
	_ =	strace $0x90000047  }
0x6b: {  	s0 =	sadd.s32 @!p0 $0x100000, s0;
	[bflag:$0x2] =	sbarrier.arrive $0xFFFF  }
0x6c: {  	[sflag:s0] =	ssyncadd.tile.s32 @!p0 $0x1;
	_ =	shalt  }
.Lfunc_end2:
_tile_overlayer_lowered:
.L_overlay_start_2:
0x6d: {  	(tag) =	ssettag $0x2  }
0x6e: {  	s0 =	rddreg [dreg:$0x0];
	s2 =	stileid.u32  }
0x6f: {  	s1 =	rddreg [dreg:$0x1];
	p0 =	sne.s32 s2, $0x0  }
0x70: {  	s3 =	rddreg [dreg:$0x2];
	[bflag:$0x3] =	sbarrier.arrive $0xFFFF;
	s2 =	simm.s32 @!p0 $0x1C01  }
0x71: {  	[timem:s3], [sflag:s2] =	dma.local @!p0 [hbm:s0], s1  }
0x72: {  	s0 =	simm.s32 @!p0 $0x1  }
0x73: {  	_ =	swait.ge @!p0 [sflag:s0], s1  }
0x74: {  	s1 =	ssub.s32 @!p0 $0x0, s1;
	[sflag:s0] =	ssyncset.done @!p0 $0x0  }
0x75: {  	[sflag:s0] =	ssyncadd.s32 @!p0 s1  }
0x76: {  	[bflag:$0x3] =	sbarrier.arrive $0xFFFF  }
0x77: {  	_ =	shalt  }

// kernel: kernel.9.cloned.1.call-start
scs
__scs_entry_jumppad:
0x0: {  	(pc) =	sbr.rel $0x88, $3  }
0x1: {  	(tag) =	ssettag $0x0;
	lr =	simm.s32 $0x1  }
0x2: {  	[smem:$0x3F9B] =	sst lr;
	_ =	strace $0xD0000000  }
0x3: {  	_ = 	snop  }
0x4: {  	_ = 	snop  }
0x5: {  	_ = 	snop  }
0x6: {  	_ = 	snop  }
0x7: {  	_ = 	snop  }
__scs_overlays_trampoline_lowered:
0x8: {  	[smem:$0x3FAA] =	sst s0  }
0x9: {  	[smem:$0x3FAB] =	sst s1  }
0xa: {  	[smem:$0x3FAC] =	sst s2  }
0xb: {  	[smem:$0x3FAD] =	sst s3  }
0xc: {  	[smem:$0x3FAE] =	sst s4  }
0xd: {  	[smem:$0x3FAF] =	sst s5  }
0xe: {  	[smem:$0x3FB0] =	sst s6  }
0xf: {  	[smem:$0x3FB1] =	sst s7  }
0x10: {  	[smem:$0x3FB2] =	sst s8  }
0x11: {  	[smem:$0x3FB3] =	sst s9;
	s0 =	simm.s32 @!p0 $0x0  }
0x12: {  	s1 =	sld [smem:$0x3F99];
	s0 =	simm.s32 @p0 $0x1  }
0x13: {  	[smem:$0x3FB4] =	sst s0;
	s0 =	simm.s32 @!p1 $0x0  }
0x14: {  	s2 =	sld [smem:$0x3F98];
	s0 =	simm.s32 @p1 $0x1  }
0x15: {  	[smem:$0x3FB5] =	sst s0;
	s0 =	simm.s32 @!p2 $0x0  }
0x16: {  	s3 =	sld [smem:$0x3FDB];
	s0 =	simm.s32 @p2 $0x1  }
0x17: {  	s4 =	simm.s32 $0x1BF5;
	[smem:$0x3FB7] =	sst s0  }
0x18: {  	s0 =	sld [smem:$0x3F9A];
	_ =	swait.ge [sflag:s4], $0x0  }
0x19: {  	s7 =	sld [smem:$0x3F9B]  }
0x1a: {  	s8 =	sadd.s32 $0xFFFFE003, lr  }
0x1b: {  	s9 =	sadd.s32 $0xFFFFFEF7, lr;
	s5 =	simm.s32 $0xFFFFFFFF;
	p2 =	slt.u32 s8, $0xFFFFF086  }
0x1c: {  	p1 =	slt.u32 s9, $0xF7A;
	s5 =	simm.s32 @!p2 $0x0  }
0x1d: {  	s5 =	simm.s32 @p1 $0x1;
	p0 =	seq.s32 s7, s2  }
0x1e: {  	s7 =	smul.u32 @!p0 $0xF7A, s2;
	p2 =	seq.s32 @!p0 s5, $0x0  }
0x1f: {  	s9 =	smul.u32 $0xF7A, s1;
	s8 =	simm.s32 @!p0 $0x1BF5;
	p2 =	por !p2, p0  }
0x20: {  	[sflag:s8] =	ssyncset.s32 @!p0 $0xFFFFF086;
	s6 =	sadd.s32 @!p0 s3, s7;
	s7 =	simm.s32 @!p0 $0x108  }
0x21: {  	s3 =	sadd.s32 s3, s9;
	s6 =	sadd.s32 @!p0 $0x88, s6;
	s7 =	simm.s32 @p2 $0x1082  }
0x22: {  	[simem:s7], [sflag:s8] =	dma.local @!p0 [hbm:s6], $0xF7A  }
0x23: {  	s9 =	sor.u32 $0xD0000000, s2;
	s6 =	simm.s32 $0x108;
	_ =	swait.ge @!p0 [sflag:s8], $0x0  }
0x24: {  	s3 =	sadd.s32 $0x88, s3;
	s6 =	simm.s32 @!p1 $0x1082;
	[sflag:s4] =	ssyncset.s32 $0xFFFFF086  }
0x25: {  	[simem:s6], [sflag:s4] =	dma.local [hbm:s3], $0xF7A  }
0x26: {  	[smem:$0x3F9B] =	sst s1;
	(tag) =	ssettag s2;
	_ =	strace s9  }
0x27: {  	s1 =	sld [smem:$0x3FAB]  }
0x28: {  	s2 =	sld [smem:$0x3FAC]  }
0x29: {  	s4 =	sld [smem:$0x3FAE]  }
0x2a: {  	p0 =	seq.s32 s5, $0x0;
	s5 =	sld [smem:$0x3FAF]  }
0x2b: {  	s6 =	sld [smem:$0x3FB0]  }
0x2c: {  	s7 =	sld [smem:$0x3FB1]  }
0x2d: {  	s3 =	simm.s32 $0x108;
	s8 =	sld [smem:$0x3FB2]  }
0x2e: {  	s3 =	simm.s32 @!p0 $0x1082;
	s9 =	sld [smem:$0x3FB3]  }
0x2f: {  	lr =	sadd.s32 s0, s3;
	s0 =	sld [smem:$0x3FAA]  }
0x30: {  	s3 =	sld [smem:$0x3FAD]  }
0x31: {  	[smem:$0x3FB6] =	sst s10  }
0x32: {  	s10 =	sld [smem:$0x3FB4];
	_ =	sdelay $0x3  }
0x33: {  	p0 =	seq.s32 s10, $0x1;
	s10 =	sld [smem:$0x3FB6];
	_ =	sdelay $0x3  }
0x34: {  	[smem:$0x3FB6] =	sst s10  }
0x35: {  	s10 =	sld [smem:$0x3FB5];
	_ =	sdelay $0x3  }
0x36: {  	p1 =	seq.s32 s10, $0x1;
	s10 =	sld [smem:$0x3FB6];
	_ =	sdelay $0x3  }
0x37: {  	[smem:$0x3FB6] =	sst s10  }
0x38: {  	s10 =	sld [smem:$0x3FB7]  }
0x39: {  	_ = 	snop;
	(pc) =	sbr.ind lr, $3  }
0x3a: {  	_ = 	snop  }
0x3b: {  	_ = 	snop  }
0x3c: {  	p2 =	seq.s32 s10, $0x1;
	s10 =	sld [smem:$0x3FB6]  }
0x3d: {  	_ =	shalt  }
0x3e: {  	_ =	shalt  }
0x3f: {  	_ =	shalt  }
0x40: {  	_ =	shalt  }
0x41: {  	_ =	shalt  }
0x42: {  	_ =	shalt  }
0x43: {  	_ =	shalt  }
0x44: {  	_ =	shalt  }
0x45: {  	_ =	shalt  }
0x46: {  	_ =	shalt  }
0x47: {  	_ =	shalt  }
0x48: {  	_ =	shalt  }
0x49: {  	_ =	shalt  }
0x4a: {  	_ =	shalt  }
0x4b: {  	_ =	shalt  }
0x4c: {  	_ =	shalt  }
0x4d: {  	_ =	shalt  }
0x4e: {  	_ =	shalt  }
0x4f: {  	_ =	shalt  }
0x50: {  	_ =	shalt  }
0x51: {  	_ =	shalt  }
0x52: {  	_ =	shalt  }
0x53: {  	_ =	shalt  }
0x54: {  	_ =	shalt  }
0x55: {  	_ =	shalt  }
0x56: {  	_ =	shalt  }
0x57: {  	_ =	shalt  }
0x58: {  	_ =	shalt  }
0x59: {  	_ =	shalt  }
0x5a: {  	_ =	shalt  }
0x5b: {  	_ =	shalt  }
0x5c: {  	_ =	shalt  }
0x5d: {  	_ =	shalt  }
0x5e: {  	_ =	shalt  }
0x5f: {  	_ =	shalt  }
0x60: {  	_ =	shalt  }
0x61: {  	_ =	shalt  }
0x62: {  	_ =	shalt  }
0x63: {  	_ =	shalt  }
0x64: {  	_ =	shalt  }
0x65: {  	_ =	shalt  }
0x66: {  	_ =	shalt  }
0x67: {  	_ =	shalt  }
0x68: {  	_ =	shalt  }
0x69: {  	_ =	shalt  }
0x6a: {  	_ =	shalt  }
0x6b: {  	_ =	shalt  }
0x6c: {  	_ =	shalt  }
0x6d: {  	_ =	shalt  }
0x6e: {  	_ =	shalt  }
0x6f: {  	_ =	shalt  }
0x70: {  	_ =	shalt  }
0x71: {  	_ =	shalt  }
0x72: {  	_ =	shalt  }
0x73: {  	_ =	shalt  }
0x74: {  	_ =	shalt  }
0x75: {  	_ =	shalt  }
0x76: {  	_ =	shalt  }
0x77: {  	_ =	shalt  }
0x78: {  	_ =	shalt  }
0x79: {  	_ =	shalt  }
0x7a: {  	_ =	shalt  }
0x7b: {  	_ =	shalt  }
0x7c: {  	_ =	shalt  }
0x7d: {  	_ =	shalt  }
0x7e: {  	_ =	shalt  }
0x7f: {  	_ =	shalt  }
0x80: {  	_ =	shalt  }
0x81: {  	_ =	shalt  }
0x82: {  	_ =	shalt  }
0x83: {  	_ =	shalt  }
0x84: {  	_ =	shalt  }
0x85: {  	_ =	shalt  }
0x86: {  	_ =	shalt  }
0x87: {  	_ =	shalt  }
.Lfunc_end0:
.L_simem_size_0:
called_computation.1_lowered:
.L_overlay_start_0:
0x88: {  	s2 =	sld [smem:$0x3FD9]  }
0x89: {  	s3 =	sld [smem:$0x3FFE];
	_ =	sdelay $0x1  }
0x8a: {  	s1 =	srdreg.scid  }
0x8b: {  	s0 =	sand.u32 $0x1, s1  }
0x8c: {  	s17 =	sshll.u32 s0, $0xA;
	s2 =	sadd.s32 s3, s2  }
0x8d: {  	s2 =	sadd.s32 s2, s17  }
0x8e: {  	[smem:$0x3FC2] =	sst s2  }
0x8f: {  	_ = 	snop  }
0x90: {  	s2 =	sld [smem:$0x3FD0];
	(tm) =	ssettm $0x1  }
0x91: {  	s18 =	sld [smem:$0x3FFB];
	_ =	sdelay $0x3  }
0x92: {  	_ =	strace s18  }
0x93: {  	s3 =	sld [smem:$0x3FFC];
	_ =	sdelay $0x3  }
0x94: {  	_ =	strace s3  }
0x95: {  	s3 =	sld [smem:$0x3FFD];
	_ =	sdelay $0x3  }
0x96: {  	_ =	strace s3  }
0x97: {  	_ =	strace $0x8FFFFFFF  }
0x98: {  	s19 =	sld [smem:$0x3FDB];
	_ =	sdelay $0x1  }
0x99: {  	s4 =	simm.s32 $_scs_section_size  }
0x9a: {  	s5 =	simm.s32 $_size__tile_overlayer_lowered;
	s6 =	simm.s32 $_tile_overlayer_lowered  }
0x9b: {  	s22 =	simm.s32 $0x1BFF;
	s21 =	sshll.u32 s6, $0x1;
	s3 =	sadd.s32 s4, s19  }
0x9c: {  	s7 =	simm.s32 $0x0;
	s20 =	sshll.u32 s5, $0x1;
	s5 =	sadd.s32 s21, s3  }
0x9d: {  	[timem:s7], [sflag:s22] =	dma.local [hbm:s5], s20  }
0x9e: {  	_ =	swait.ge [sflag:s22], s20  }
0x9f: {  	s4 =	ssub.s32 $0x0, s20;
	[sflag:s22] =	ssyncset.done $0x0  }
0xa0: {  	[sflag:s22] =	ssyncadd.s32 s4;
	_ =	sdelay $0x1  }
0xa1: {  	s23 =	simm.s32 $0x1B8B  }
0xa2: {  	_ =	swait.ge [sflag:s23], $0x1  }
0xa3: {  	[sflag:s23] =	ssyncset.done $0x0  }
0xa4: {  	s25 =	simm.s32 $0x1B8E;
	s24 =	sld [smem:$0x3FFE];
	[sflag:s23] =	ssyncadd.s32 $0xFFFFFFFF  }
0xa5: {  	s26 =	simm.s32 $execute0_lowered;
	[smem:$0x3FD2] =	sst s25  }
0xa6: {  	s5 =	sshll.u32 s26, $0x1;
	_ =	strace $0x80000049;
	[dreg:$0x1] =	wrdreg $0xFFFFFFFF  }
0xa7: {  	s28 =	simm.s32 $_size_execute0_lowered;
	s3 =	sadd.s32 s3, s5;
	[dreg:$0x0] =	wrdreg $0x0  }
0xa8: {  	s5 =	sshll.u32 s28, $0x1;
	[dreg:$0x2] =	wrdreg s3  }
0xa9: {  	[dreg:$0x3] =	wrdreg s5  }
0xaa: {  	[dreg:$0x4] =	wrdreg $0xC0  }
0xab: {  	_ =	task [dreg:s7], $0x5FFFF  }
0xac: {  	[dreg:$0x1] =	wrdreg $0xFFFFFFFF  }
0xad: {  	[dreg:$0x0] =	wrdreg $0x60  }
0xae: {  	[dreg:$0x2] =	wrdreg s24  }
0xaf: {  	[dreg:$0x3] =	wrdreg s2  }
0xb0: {  	[dreg:$0x4] =	wrdreg $0x0  }
0xb1: {  	[dreg:$0x5] =	wrdreg $0x9  }
0xb2: {  	_ =	task.clear_ibuf [dreg:s7], $0x6FFFF;
	_ =	strace $0x90000049  }
0xb3: {  	s29 =	simm.s32 $0x9;
	_ =	strace $0x8000004B  }
0xb4: {  	_ =	swait.ge [sflag:s29], $0x1  }
0xb5: {  	[sflag:s29] =	ssyncadd.s32 $0xFFFFFFFF  }
0xb6: {  	_ =	strace $0x9000004B  }
0xb7: {  	_ =	sfence  }
0xb8: {  	s30 =	sld [smem:$0x0];
	_ =	sdelay $0x2  }
0xb9: {  	s31 =	sshll.u32 s1, $0xD;
	s1 =	sshrl.u32 s1, $0x2  }
0xba: {  	s3 =	sand.u32 $0x4000, s31;
	s1 =	sadd.s32 s1, s30  }
0xbb: {  	s0 =	sor.u32 s3, s0;
	s1 =	sshll.u32 s1, $0x11  }
0xbc: {  	s0 =	sor.u32 s1, s0  }
0xbd: {  	s0 =	sadd.s32 $0x8F2B, s0  }
0xbe: {  	[sflag:s0] =	ssyncadd.remote.s32 $0x1  }
0xbf: {  	_ =	sfence.sel $0xFFFF  }
0xc0: {  	[dreg:$0x0] =	wrdreg $0xFFFFFFFF;
	(pc) =	sbr.abs _section_cstart, $3  }
0xc1: {  	[dreg:$0x1] =	wrdreg $0xFFFFFFFF  }
0xc2: {  	_ =	task.clear_ibuf [dreg:s7], $0x2FFFF;
	_ =	strace $0x9FFFFFFF  }
0xc3: {  	(tm) =	ssettm $0x7FFFFFFF  }
tec
execute0_lowered:
.L_overlay_start_1:
0x0: {  	(tag) =	ssettag $0x1  }
0x1: {  	s0 =	rddreg [dreg:$0x0]  }
0x2: {  	s7 =	rddreg [dreg:$0x1]  }
0x3: {  	s1 =	srdreg.scid;
	s2 =	rddreg [dreg:$0x2]  }
0x4: {  	s10 =	stileid.u32;
	s3 =	simm.s32 $0x0;
	s28 =	simm.s32 $0x19000  }
0x5: {  	s29 =	simm.s32 $0x80;
	s30 =	simm.s32 $0x1;
	s31 =	simm.s32 $0x0  }
0x6: {  	s1 =	sand.u32 $0x1, s1;
	[smem:$0x7FF] =	sst s3;
	s18 =	smul.u32 $0x280, s10  }
0x7: {  	s9 =	smul.u32 $0x50000, s10;
	s4 =	sshll.u32 s1, $0x4;
	_ =	strace $0x8000004A  }
0x8: {  	s5 =	smul.u32 $0x28000, s1;
	s1 =	ssub.s32 $0x2, s1;
	s4 =	sor.u32 s10, s4  }
0x9: {  	s25 =	sshrl.u32 s1, $0x1;
	s9 =	sshrl.u32 s9, $0x2;
	s12 =	sadd.s32 $0x80, s18  }
0xa: {  	s15 =	sadd.s32 $0x100, s18;
	s19 =	sadd.s32 $0x180, s18;
	s20 =	sadd.s32 $0x200, s18  }
0xb: {  	s8 =	smul.u32 $0x500, s4;
	s4 =	sadd.s32 $0x5D600, s0;
	s1 =	ssub.s32 s1, s25  }
0xc: {  	s9 =	sadd.s32 s9, s2;
	s13 =	sshll.u32 s15, $0x4;
	s16 =	sshll.u32 s15, $0x7  }
0xd: {  	s15 =	sshll.u32 s19, $0x4;
	s19 =	sshll.u32 s19, $0x7;
	s18 =	sshll.u32 s20, $0x4  }
0xe: {  	s21 =	sshll.u32 s20, $0x7;
	s25 =	simm.s32 $0x2;
	s14 =	sadd.s32 s4, s13  }
0xf: {  	s16 =	sadd.s32 s16, s2;
	s17 =	sadd.s32 s4, s15;
	s19 =	sadd.s32 s19, s2  }
0x10: {  	s20 =	sadd.s32 s4, s18;
	s21 =	sadd.s32 s21, s2;
	s23 =	smax.u32 s1, $0x1  }
0x11: {  	s6 =	sadd.s32 s8, s0;
	s0 =	sadd.s32 s5, s0;
	s7 =	sadd.s32 s7, s8  }
0x12: {  	s26 =	sadd.s32 $0x53600, s6;
	s6 =	smul.u32 $0x2800, s10;
	s10 =	sshll.u32 s12, $0x4  }
0x13: {  	s12 =	sshll.u32 s12, $0x7;
	s22 =	sadd.s32 $0x85600, s0;
	[dreg:$0x4] =	wrdreg s26  }
0x14: {  	s11 =	sadd.s32 s4, s10;
	s12 =	sadd.s32 s12, s2;
	s8 =	sadd.s32 s4, s6  }
.LBB2_1:
0x15: {  	s0 =	rddreg [dreg:$0x4];
	s1 =	simm.s32 $0x14000  }
0x16: {  	[tilespmem:s1], [sflag:$0x2] =	stream.linear.gather [hbm4b:s0+s3], $0x2780, $0x38;
	[tilespmem:$0x1D000] =	vst v63  }
0x17: {  	_ =	swait.ge [sflag:s25], $0x2780  }
0x18: {  	[sflag:s25] =	ssyncset.done $0x0  }
0x19: {  	s5 =	simm.s32 $0x16800;
	[sflag:s25] =	ssyncadd.s32 $0xFFFFD880  }
0x1a: {  	[tilespmem:s5], [sflag:$0x2] =	stream.linear.gather [hbm4b:s7+s3], $0x2780, $0x38;
	[tilespmem:$0x1D000] =	vst v63  }
0x1b: {  	_ =	swait.ge [sflag:s25], $0x2780  }
0x1c: {  	[sflag:s25] =	ssyncset.done $0x0  }
0x1d: {  	[sflag:s25] =	ssyncadd.s32 $0xFFFFD880  }
0x1e: {  	[tilespmem:s28], [sflag:$0x2] =	stream.linear.gather [hbm4b:s8+s3], $0x4000, $0x38;
	[tilespmem:$0x1D000] =	vst v63  }
0x1f: {  	_ =	swait.ge [sflag:s25], $0x4000  }
0x20: {  	[sflag:s25] =	ssyncset.done $0x0  }
0x21: {  	[sflag:s25] =	ssyncadd.s32 $0xFFFFC000  }
0x22: {  	[spmem:s9] =	stream.linear.scatter [tilespmem:s28], [sflag:$0x2], $0x4000, $0x38;
	[tilespmem:$0x1D000] =	vst v63  }
0x23: {  	_ =	swait.ge [sflag:s25], $0x4000  }
0x24: {  	[sflag:s25] =	ssyncset.done $0x0  }
0x25: {  	[sflag:s25] =	ssyncadd.s32 $0xFFFFC000  }
0x26: {  	[tilespmem:s28], [sflag:$0x2] =	stream.linear.gather [hbm4b:s11+s3], $0x4000, $0x38;
	[tilespmem:$0x1D000] =	vst v63  }
0x27: {  	_ =	swait.ge [sflag:s25], $0x4000  }
0x28: {  	[sflag:s25] =	ssyncset.done $0x0  }
0x29: {  	[sflag:s25] =	ssyncadd.s32 $0xFFFFC000  }
0x2a: {  	[spmem:s12] =	stream.linear.scatter [tilespmem:s28], [sflag:$0x2], $0x4000, $0x38;
	[tilespmem:$0x1D000] =	vst v63  }
0x2b: {  	_ =	swait.ge [sflag:s25], $0x4000  }
0x2c: {  	[sflag:s25] =	ssyncset.done $0x0  }
0x2d: {  	[sflag:s25] =	ssyncadd.s32 $0xFFFFC000  }
0x2e: {  	[tilespmem:s28], [sflag:$0x2] =	stream.linear.gather [hbm4b:s14+s3], $0x4000, $0x38;
	[tilespmem:$0x1D000] =	vst v63  }
0x2f: {  	_ =	swait.ge [sflag:s25], $0x4000  }
0x30: {  	[sflag:s25] =	ssyncset.done $0x0  }
0x31: {  	[sflag:s25] =	ssyncadd.s32 $0xFFFFC000  }
0x32: {  	[spmem:s16] =	stream.linear.scatter [tilespmem:s28], [sflag:$0x2], $0x4000, $0x38;
	[tilespmem:$0x1D000] =	vst v63  }
0x33: {  	_ =	swait.ge [sflag:s25], $0x4000  }
0x34: {  	[sflag:s25] =	ssyncset.done $0x0  }
0x35: {  	[sflag:s25] =	ssyncadd.s32 $0xFFFFC000  }
0x36: {  	[tilespmem:s28], [sflag:$0x2] =	stream.linear.gather [hbm4b:s17+s3], $0x4000, $0x38;
	[tilespmem:$0x1D000] =	vst v63  }
0x37: {  	_ =	swait.ge [sflag:s25], $0x4000  }
0x38: {  	[sflag:s25] =	ssyncset.done $0x0  }
0x39: {  	[sflag:s25] =	ssyncadd.s32 $0xFFFFC000  }
0x3a: {  	[spmem:s19] =	stream.linear.scatter [tilespmem:s28], [sflag:$0x2], $0x4000, $0x38;
	[tilespmem:$0x1D000] =	vst v63  }
0x3b: {  	_ =	swait.ge [sflag:s25], $0x4000  }
0x3c: {  	[sflag:s25] =	ssyncset.done $0x0  }
0x3d: {  	[sflag:s25] =	ssyncadd.s32 $0xFFFFC000  }
0x3e: {  	[tilespmem:s28], [sflag:$0x2] =	stream.linear.gather [hbm4b:s20+s3], $0x4000, $0x38;
	[tilespmem:$0x1D000] =	vst v63  }
0x3f: {  	_ =	swait.ge [sflag:s25], $0x4000  }
0x40: {  	[sflag:s25] =	ssyncset.done $0x0  }
0x41: {  	[sflag:s25] =	ssyncadd.s32 $0xFFFFC000  }
0x42: {  	[spmem:s21] =	stream.linear.scatter [tilespmem:s28], [sflag:$0x2], $0x4000, $0x38;
	[tilespmem:$0x1D000] =	vst v63  }
0x43: {  	_ =	swait.ge [sflag:s25], $0x4000  }
0x44: {  	[sflag:s25] =	ssyncset.done $0x0  }
0x45: {  	[sflag:s25] =	ssyncadd.s32 $0xFFFFC000  }
0x46: {  	s24 =	simm.s32 $0x14000;
	[bflag:$0x0] =	sbarrier.arrive $0xFFFF  }
0x47: {  	[tilespmem:s28], [sflag:$0x1] =	stream.indirect.gather [hbm4b:s4+s29], $0x80, s24, s29, $0xb8;
	[tilespmem:$0x1D000] =	vst v63  }
0x48: {  	_ =	swait.ge [sflag:s30], $0x4000  }
0x49: {  	[sflag:s30] =	ssyncset.done $0x0  }
0x4a: {  	s26 =	simm.s32 $0x16800;
	[sflag:s30] =	ssyncadd.s32 $0xFFFFC000  }
0x4b: {  	[spmem:s2] =	stream.indirect.scatter.add.f32 [tilespmem:s28], [sflag:$0x2], $0x80, s26, s29, $0xb8;
	[tilespmem:$0x1D000] =	vst v63  }
0x4c: {  	_ =	swait.ge [sflag:s25], $0x4000  }
0x4d: {  	s1 =	simm.s32 $0x400;
	s0 =	simm.s32 $0x80;
	[sflag:s25] =	ssyncset.done $0x0  }
.LBB2_2:
0x4e: {  	s24 =	sadd.s32 $0x14000, s0  }
0x4f: {  	[sflag:s25] =	ssyncadd.s32 $0xFFFFC000;
	s26 =	smov.u32 s1;
	s5 =	sadd.s32 $0x200, s1  }
0x50: {  	[tilespmem:s28], [sflag:$0x1] =	stream.indirect.gather [hbm4b:s4+s29], $0x80, s24, s29, $0xb8;
	[tilespmem:$0x1D000] =	vst v63  }
0x51: {  	p0 =	sne.s32 s1, $0x9C00;
	_ =	swait.ge [sflag:s30], $0x4000  }
.Ltmp0:
0x52: {  	[sflag:s30] =	ssyncset.done $0x0;
	(pc) =	sbr.rel @p0 .LBB2_2-.Ltmp0, $4  }
0x53: {  	s0 =	sadd.s32 $0x16800, s0;
	[sflag:s30] =	ssyncadd.s32 $0xFFFFC000  }
0x54: {  	[spmem:s2] =	stream.indirect.scatter.add.f32 [tilespmem:s28], [sflag:$0x2], $0x80, s0, s29, $0xb8;
	[tilespmem:$0x1D000] =	vst v63  }
0x55: {  	_ =	swait.ge [sflag:s25], $0x4000  }
0x56: {  	s1 =	smov.u32 s5;
	s0 =	sshra.s32 s26, $0x2;
	[sflag:s25] =	ssyncset.done $0x0  }
0x57: {  	s1 =	sadd.s32 $0x14000, s0;
	[sflag:s25] =	ssyncadd.s32 $0xFFFFC000  }
0x58: {  	[tilespmem:s28], [sflag:$0x1] =	stream.indirect.gather [hbm4b:s4+s29], $0x80, s1, s29, $0xb8;
	[tilespmem:$0x1D000] =	vst v63  }
0x59: {  	_ =	swait.ge [sflag:s30], $0x4000  }
0x5a: {  	[sflag:s30] =	ssyncset.done $0x0  }
0x5b: {  	s24 =	sadd.s32 $0x16800, s0;
	[sflag:s30] =	ssyncadd.s32 $0xFFFFC000  }
0x5c: {  	[spmem:s2] =	stream.indirect.scatter.add.f32 [tilespmem:s28], [sflag:$0x2], $0x80, s24, s29, $0xb8;
	[tilespmem:$0x1D000] =	vst v63  }
0x5d: {  	_ =	swait.ge [sflag:s25], $0x4000  }
0x5e: {  	[sflag:s25] =	ssyncset.done $0x0  }
0x5f: {  	[sflag:s25] =	ssyncadd.s32 $0xFFFFC000  }
0x60: {  	[bflag:$0x0] =	sbarrier.arrive $0xFFFF  }
0x61: {  	[tilespmem:s28], [sflag:$0x2] =	stream.linear.gather [spmem:s9], $0x4000, $0x38;
	[tilespmem:$0x1D000] =	vst v63  }
0x62: {  	_ =	swait.ge [sflag:s25], $0x4000  }
0x63: {  	[sflag:s25] =	ssyncset.done $0x0  }
0x64: {  	s26 =	sadd.s32 s6, s22;
	[sflag:s25] =	ssyncadd.s32 $0xFFFFC000  }
0x65: {  	[hbm4b:s26+s3] =	stream.linear.scatter [tilespmem:s28], [sflag:$0x2], $0x4000, $0x38;
	[tilespmem:$0x1D000] =	vst v63  }
0x66: {  	_ =	swait.ge [sflag:s25], $0x4000  }
0x67: {  	[sflag:s25] =	ssyncset.done $0x0  }
0x68: {  	[sflag:s25] =	ssyncadd.s32 $0xFFFFC000  }
0x69: {  	[tilespmem:s28], [sflag:$0x2] =	stream.linear.gather [spmem:s12], $0x4000, $0x38;
	[tilespmem:$0x1D000] =	vst v63  }
0x6a: {  	_ =	swait.ge [sflag:s25], $0x4000  }
0x6b: {  	[sflag:s25] =	ssyncset.done $0x0  }
0x6c: {  	s1 =	sadd.s32 s10, s22;
	[sflag:s25] =	ssyncadd.s32 $0xFFFFC000  }
0x6d: {  	[hbm4b:s1+s3] =	stream.linear.scatter [tilespmem:s28], [sflag:$0x2], $0x4000, $0x38;
	[tilespmem:$0x1D000] =	vst v63  }
0x6e: {  	_ =	swait.ge [sflag:s25], $0x4000  }
0x6f: {  	[sflag:s25] =	ssyncset.done $0x0  }
0x70: {  	[sflag:s25] =	ssyncadd.s32 $0xFFFFC000  }
0x71: {  	[tilespmem:s28], [sflag:$0x2] =	stream.linear.gather [spmem:s16], $0x4000, $0x38;
	[tilespmem:$0x1D000] =	vst v63  }
0x72: {  	_ =	swait.ge [sflag:s25], $0x4000  }
0x73: {  	[sflag:s25] =	ssyncset.done $0x0  }
0x74: {  	s5 =	sadd.s32 s13, s22;
	[sflag:s25] =	ssyncadd.s32 $0xFFFFC000  }
0x75: {  	[hbm4b:s5+s3] =	stream.linear.scatter [tilespmem:s28], [sflag:$0x2], $0x4000, $0x38;
	[tilespmem:$0x1D000] =	vst v63  }
0x76: {  	_ =	swait.ge [sflag:s25], $0x4000  }
0x77: {  	[sflag:s25] =	ssyncset.done $0x0  }
0x78: {  	[sflag:s25] =	ssyncadd.s32 $0xFFFFC000  }
0x79: {  	[tilespmem:s28], [sflag:$0x2] =	stream.linear.gather [spmem:s19], $0x4000, $0x38;
	[tilespmem:$0x1D000] =	vst v63  }
0x7a: {  	_ =	swait.ge [sflag:s25], $0x4000  }
0x7b: {  	[sflag:s25] =	ssyncset.done $0x0  }
0x7c: {  	s24 =	sadd.s32 s15, s22;
	[sflag:s25] =	ssyncadd.s32 $0xFFFFC000  }
0x7d: {  	[hbm4b:s24+s3] =	stream.linear.scatter [tilespmem:s28], [sflag:$0x2], $0x4000, $0x38;
	[tilespmem:$0x1D000] =	vst v63  }
0x7e: {  	_ =	swait.ge [sflag:s25], $0x4000  }
0x7f: {  	[sflag:s25] =	ssyncset.done $0x0  }
0x80: {  	[sflag:s25] =	ssyncadd.s32 $0xFFFFC000  }
0x81: {  	[tilespmem:s28], [sflag:$0x2] =	stream.linear.gather [spmem:s21], $0x4000, $0x38;
	[tilespmem:$0x1D000] =	vst v63  }
0x82: {  	s31 =	sadd.s32 $0x1, s31;
	_ =	swait.ge [sflag:s25], $0x4000  }
0x83: {  	p0 =	sne.s32 s31, s23;
	[sflag:s25] =	ssyncset.done $0x0  }
.Ltmp1:
0x84: {  	s26 =	sadd.s32 s18, s22;
	[sflag:s25] =	ssyncadd.s32 $0xFFFFC000;
	(pc) =	sbr.rel @p0 .LBB2_1-.Ltmp1, $4  }
0x85: {  	[hbm4b:s26+s3] =	stream.linear.scatter [tilespmem:s28], [sflag:$0x2], $0x4000, $0x38;
	[tilespmem:$0x1D000] =	vst v63  }
0x86: {  	_ =	swait.ge [sflag:s25], $0x4000  }
0x87: {  	[sflag:s25] =	ssyncset.done $0x0  }
0x88: {  	[sflag:s25] =	ssyncadd.s32 $0xFFFFC000  }
0x89: {  	_ =	sfence.sel $0x180000  }
0x8a: {  	[bflag:$0x0] =	sbarrier.arrive $0xFFFF  }
0x8b: {  	_ =	strace $0x9000004A  }
0x8c: {  	s0 =	stileid.u32;
	[bflag:$0x2] =	sbarrier.arrive $0xFFFF  }
0x8d: {  	p0 =	sne.s32 s0, $0x0;
	s0 =	rddreg [dreg:$0x3]  }
0x8e: {  	s0 =	sadd.s32 @!p0 $0x100000, s0  }
0x8f: {  	[sflag:s0] =	ssyncadd.tile.s32 @!p0 $0x1;
	_ =	shalt  }
.Lfunc_end2:
_tile_overlayer_lowered:
.L_overlay_start_2:
0x90: {  	(tag) =	ssettag $0x2  }
0x91: {  	s0 =	rddreg [dreg:$0x0];
	s2 =	stileid.u32  }
0x92: {  	s1 =	rddreg [dreg:$0x1];
	p0 =	sne.s32 s2, $0x0  }
0x93: {  	s3 =	rddreg [dreg:$0x2];
	[bflag:$0x3] =	sbarrier.arrive $0xFFFF;
	s2 =	simm.s32 @!p0 $0x1C02  }
0x94: {  	[timem:s3], [sflag:s2] =	dma.local @!p0 [hbm:s0], s1  }
0x95: {  	s0 =	simm.s32 @!p0 $0x2  }
0x96: {  	_ =	swait.ge @!p0 [sflag:s0], s1  }
0x97: {  	s1 =	ssub.s32 @!p0 $0x0, s1;
	[sflag:s0] =	ssyncset.done @!p0 $0x0  }
0x98: {  	[sflag:s0] =	ssyncadd.s32 @!p0 s1  }
0x99: {  	[bflag:$0x3] =	sbarrier.arrive $0xFFFF  }
0x9a: {  	_ =	shalt  }

</sc_bundles>
